<compile_context>
chip_gen: v7x
topology: tpu7x:2x2x1
jax: 0.10.2.dev20260603
libtpu: 0.0.44.dev20260713+nightly
codegen_flags: <defaults>
</compile_context>

<pallas_src>
import jax
import jax.numpy as jnp
from jax import lax
from jax.experimental import pallas as pl
from jax.experimental.pallas import tpu as pltpu
from jax.experimental.pallas import tpu_sc as plsc

NUM_ROWS = 2600000
BATCH = 16384
NUM_FIELDS = 26

_info = plsc.get_sparse_core_info()
NC, NS, L = _info.num_cores, _info.num_subcores, _info.num_lanes
NW = NC * NS
B_PER_W = BATCH // NW
E_PER_W = B_PER_W * NUM_FIELDS
CHUNK = 128
N_DMA = E_PER_W // CHUNK
N_OUT_CHUNKS = B_PER_W // L
N_GRP = 8
DMA_PER_GRP = N_DMA // N_GRP
CHUNKS_PER_GRP = N_OUT_CHUNKS // N_GRP


def _repack_kernel(xt_hbm, idx_out_hbm, xt_v, idx_v):
    wid = lax.axis_index("s") * NC + lax.axis_index("c")
    base_row = pl.multiple_of(wid * B_PER_W, B_PER_W)
    pltpu.sync_copy(xt_hbm.at[:, pl.ds(base_row, B_PER_W)], xt_v)

    def repack(i, c):
        src = pl.ds(pl.multiple_of(i * L, L), L)
        for f in range(NUM_FIELDS):
            g = xt_v[f, src]
            idx_v[pl.ds(pl.multiple_of(i * (L * NUM_FIELDS) + f * L, L), L)] = g
        return c

    lax.fori_loop(0, N_OUT_CHUNKS, repack, 0)

    base_e = pl.multiple_of(wid * E_PER_W, E_PER_W)
    pltpu.sync_copy(idx_v, idx_out_hbm.at[pl.ds(base_e, E_PER_W)])


def _gather_kernel(idx_hbm, table_hbm, out_hbm, idx_v, vals_v, out_v, sems):
    wid = lax.axis_index("s") * NC + lax.axis_index("c")
    base_e = pl.multiple_of(wid * E_PER_W, E_PER_W)
    pltpu.sync_copy(idx_hbm.at[pl.ds(base_e, E_PER_W)], idx_v)

    def fire(j, c):
        sl = pl.ds(pl.multiple_of(j * CHUNK, CHUNK), CHUNK)
        pltpu.async_copy(table_hbm.at[idx_v.at[sl]], vals_v.at[sl], sems.at[j // DMA_PER_GRP])
        return c

    lax.fori_loop(0, N_DMA, fire, 0, unroll=4)

    def group(b, c):
        def drain(j, cc):
            sl = pl.ds(pl.multiple_of((b * DMA_PER_GRP + j) * CHUNK, CHUNK), CHUNK)
            pltpu.make_async_copy(table_hbm.at[idx_v.at[sl]], vals_v.at[sl], sems.at[b]).wait()
            return cc

        lax.fori_loop(0, DMA_PER_GRP, drain, 0)

        def reduce_chunk(i, cc):
            base = (b * CHUNKS_PER_GRP + i) * (L * NUM_FIELDS)
            acc = jnp.zeros((L,), jnp.float32)
            for f in range(NUM_FIELDS):
                acc = acc + vals_v[pl.ds(pl.multiple_of(base + f * L, L), L)]
            out_v[pl.ds(pl.multiple_of((b * CHUNKS_PER_GRP + i) * L, L), L)] = acc
            return cc

        lax.fori_loop(0, CHUNKS_PER_GRP, reduce_chunk, 0)
        return c

    lax.fori_loop(0, N_GRP, group, 0)

    base_row = pl.multiple_of(wid * B_PER_W, B_PER_W)
    pltpu.sync_copy(out_v, out_hbm.at[pl.ds(base_row, B_PER_W)])


@jax.jit
def kernel(x, table):
    mesh = plsc.VectorSubcoreMesh(core_axis_name="c", subcore_axis_name="s")
    idx_flat = pl.kernel(
        _repack_kernel,
        mesh=mesh,
        compiler_params=pltpu.CompilerParams(needs_layout_passes=False),
        out_type=jax.ShapeDtypeStruct((BATCH * NUM_FIELDS,), jnp.int32),
        scratch_types=[
            pltpu.VMEM((NUM_FIELDS, B_PER_W), jnp.int32),
            pltpu.VMEM((E_PER_W,), jnp.int32),
        ],
    )(x.T)
    table_flat = table.reshape(NUM_ROWS)
    out = pl.kernel(
        _gather_kernel,
        mesh=mesh,
        compiler_params=pltpu.CompilerParams(needs_layout_passes=False),
        out_type=jax.ShapeDtypeStruct((BATCH,), jnp.float32),
        scratch_types=[
            pltpu.VMEM((E_PER_W,), jnp.int32),
            pltpu.VMEM((E_PER_W,), jnp.float32),
            pltpu.VMEM((B_PER_W,), jnp.float32),
            pltpu.SemaphoreType.DMA((N_GRP,)),
        ],
    )(idx_flat, table_flat)
    return out.reshape(BATCH, 1)

# --- scband reference (transcript-rebuilt; emitter-appended) ---
"""Pipeline reference for scband-linear-layer-16965120819770 (READ-ONLY COPY).

The authoritative reference and input builder live on the scoring server;
editing this copy changes nothing except your own understanding.
"""

import jax, jax.numpy as jnp
import numpy as np

NUM_ROWS = 2600000  # sum(field_features) = 26 * 100000
BATCH = 16384
NUM_FIELDS = 26

def setup_inputs(seed: int = 0) -> dict:
    key = jax.random.key(seed)
    k1, k2 = jax.random.split(key)
    x = jax.random.randint(k1, (BATCH, NUM_FIELDS), 0, NUM_ROWS, dtype=jnp.int64 if jax.config.jax_enable_x64 else jnp.int32)
    table = jax.random.normal(k2, (NUM_ROWS, 1), dtype=jnp.float32)
    return {"x": x, "table": table}

def reference(x, table):
    # x: [N, feat_num] int indices into the flattened field-offset embedding table
    emb = jnp.take(table, x, axis=0)      # [N, feat_num, 1]
    out = jnp.sum(emb, axis=1)            # [N, 1]
    return out

if __name__ == "__main__":
    import jax
    _d = setup_inputs()
    print(jax.jit(kernel)(*tuple(_d.values())))

</pallas_src>

<mosaic_0001>
#map = affine_map<(d0, d1) -> (0, 0)>
#map1 = affine_map<(d0, d1) -> (0)>
module attributes {stable_mosaic.version = 14 : i64} {
  func.func @_repack_kernel(%arg0: i32, %arg1: i32, %arg2: memref<26x16384xi32, #tpu.memory_space<hbm>>, %arg3: memref<425984xi32, #tpu.memory_space<hbm>>, %arg4: memref<26x512xi32, #tpu.memory_space<vmem>>, %arg5: memref<13312xi32, #tpu.memory_space<vmem>>) attributes {dimension_semantics = [#tpu.dimension_semantics<core_parallel>, #tpu.dimension_semantics<subcore_parallel>], iteration_bounds = array<i64: 2, 16>, scalar_prefetch = 0 : i64, scratch_operands = 2 : i64, tpu.core_type = #tpu.core_type<sc_vector_subcore>, window_params = [{transform_indices = #map}, {transform_indices = #map1}]} {
    %mul3A = arith.constant 2 : i32
    %mul3A_0 = arith.muli %arg1, %mul3A : i32
    %add3A = arith.addi %mul3A_0, %arg0 : i32
    %mul3A_1 = arith.constant 512 : i32
    %mul3A_2 = arith.muli %add3A, %mul3A_1 : i32
    %multiple_of3A = tpu.assume_multiple %mul3A_2, 512 : i32
    "tpu.region"() ({
      %run_scoped3A = tpu.sem_alloc : memref<!tpu.dma_semaphore, #tpu.memory_space<semaphore_mem>>
      %dma_start3A = arith.constant 0 : i32
      %dma_start3A_11 = tpu.memref_slice %arg2[%dma_start3A, %multiple_of3A] : memref<26x16384xi32, #tpu.memory_space<hbm>> -> memref<26x512xi32, #tpu.memory_space<hbm>>
      %dma_start3A_12 = arith.constant 0 : i32
      %dma_start3A_13 = tpu.memref_slice %arg2[%dma_start3A_12, %multiple_of3A] : memref<26x16384xi32, #tpu.memory_space<hbm>> -> memref<26x512xi32, #tpu.memory_space<hbm>>
      tpu.enqueue_dma source(%dma_start3A_13 : memref<26x512xi32, #tpu.memory_space<hbm>>) target(%arg4 : memref<26x512xi32, #tpu.memory_space<vmem>>) target_semaphore(%run_scoped3A : memref<!tpu.dma_semaphore, #tpu.memory_space<semaphore_mem>>)
      %dma_wait3A = arith.constant 0 : i32
      %dma_wait3A_14 = tpu.memref_slice %arg2[%dma_wait3A, %multiple_of3A] : memref<26x16384xi32, #tpu.memory_space<hbm>> -> memref<26x512xi32, #tpu.memory_space<hbm>>
      %dma_wait3A_15 = arith.constant 0 : i32
      %dma_wait3A_16 = tpu.memref_slice %arg2[%dma_wait3A_15, %multiple_of3A] : memref<26x16384xi32, #tpu.memory_space<hbm>> -> memref<26x512xi32, #tpu.memory_space<hbm>>
      tpu.wait_dma2 semaphore(%run_scoped3A : memref<!tpu.dma_semaphore, #tpu.memory_space<semaphore_mem>>) src(%dma_wait3A_16 : memref<26x512xi32, #tpu.memory_space<hbm>>) dst(%arg4 : memref<26x512xi32, #tpu.memory_space<vmem>>)
      tpu.yield
    }) : () -> ()
    %scan3A = arith.constant 0 : i32
    %scan3A_3 = arith.constant 0 : i32
    %scan3A_4 = arith.constant 32 : i32
    %scan3A_5 = arith.addi %scan3A_3, %scan3A_4 : i32
    %scan3A_6 = arith.constant 1 : i32
    scf.for %scan3A_11 = %scan3A_3 to %scan3A_5 step %scan3A_6  : i32 {
      %mul3A_12 = arith.constant 16 : i32
      %mul3A_13 = arith.muli %scan3A_11, %mul3A_12 : i32
      %multiple_of3A_14 = tpu.assume_multiple %mul3A_13, 16 : i32
      %get3A = arith.constant 0 : i32
      %get3A_15 = arith.index_cast %get3A : i32 to index
      %get3A_16 = arith.index_cast %multiple_of3A_14 : i32 to index
      %get3A_17 = tpu.vector_load %arg4[%get3A_15, %get3A_16] {strides = array<i32>} : memref<26x512xi32, #tpu.memory_space<vmem>>, vector<16xi32>,
      %mul3A_18 = arith.constant 416 : i32
      %mul3A_19 = arith.muli %scan3A_11, %mul3A_18 : i32
      %add3A_20 = arith.constant 0 : i32
      %add3A_21 = arith.addi %mul3A_19, %add3A_20 : i32
      %multiple_of3A_22 = tpu.assume_multiple %add3A_21, 16 : i32
      %swap3A = arith.index_cast %multiple_of3A_22 : i32 to index
      %swap3A_23 = tpu.vector_load %arg5[%swap3A] {strides = array<i32>} : memref<13312xi32, #tpu.memory_space<vmem>>, vector<16xi32>,
      tpu.vector_store %arg5[%swap3A], %get3A_17 {strides = array<i32>} : memref<13312xi32, #tpu.memory_space<vmem>>, vector<16xi32>,
      %get3A_24 = arith.constant 1 : i32
      %get3A_25 = arith.index_cast %get3A_24 : i32 to index
      %get3A_26 = arith.index_cast %multiple_of3A_14 : i32 to index
      %get3A_27 = tpu.vector_load %arg4[%get3A_25, %get3A_26] {strides = array<i32>} : memref<26x512xi32, #tpu.memory_space<vmem>>, vector<16xi32>,
      %mul3A_28 = arith.constant 416 : i32
      %mul3A_29 = arith.muli %scan3A_11, %mul3A_28 : i32
      %add3A_30 = arith.constant 16 : i32
      %add3A_31 = arith.addi %mul3A_29, %add3A_30 : i32
      %multiple_of3A_32 = tpu.assume_multiple %add3A_31, 16 : i32
      %swap3A_33 = arith.index_cast %multiple_of3A_32 : i32 to index
      %swap3A_34 = tpu.vector_load %arg5[%swap3A_33] {strides = array<i32>} : memref<13312xi32, #tpu.memory_space<vmem>>, vector<16xi32>,
      tpu.vector_store %arg5[%swap3A_33], %get3A_27 {strides = array<i32>} : memref<13312xi32, #tpu.memory_space<vmem>>, vector<16xi32>,
      %get3A_35 = arith.constant 2 : i32
      %get3A_36 = arith.index_cast %get3A_35 : i32 to index
      %get3A_37 = arith.index_cast %multiple_of3A_14 : i32 to index
      %get3A_38 = tpu.vector_load %arg4[%get3A_36, %get3A_37] {strides = array<i32>} : memref<26x512xi32, #tpu.memory_space<vmem>>, vector<16xi32>,
      %mul3A_39 = arith.constant 416 : i32
      %mul3A_40 = arith.muli %scan3A_11, %mul3A_39 : i32
      %add3A_41 = arith.constant 32 : i32
      %add3A_42 = arith.addi %mul3A_40, %add3A_41 : i32
      %multiple_of3A_43 = tpu.assume_multiple %add3A_42, 16 : i32
      %swap3A_44 = arith.index_cast %multiple_of3A_43 : i32 to index
      %swap3A_45 = tpu.vector_load %arg5[%swap3A_44] {strides = array<i32>} : memref<13312xi32, #tpu.memory_space<vmem>>, vector<16xi32>,
      tpu.vector_store %arg5[%swap3A_44], %get3A_38 {strides = array<i32>} : memref<13312xi32, #tpu.memory_space<vmem>>, vector<16xi32>,
      %get3A_46 = arith.constant 3 : i32
      %get3A_47 = arith.index_cast %get3A_46 : i32 to index
      %get3A_48 = arith.index_cast %multiple_of3A_14 : i32 to index
      %get3A_49 = tpu.vector_load %arg4[%get3A_47, %get3A_48] {strides = array<i32>} : memref<26x512xi32, #tpu.memory_space<vmem>>, vector<16xi32>,
      %mul3A_50 = arith.constant 416 : i32
      %mul3A_51 = arith.muli %scan3A_11, %mul3A_50 : i32
      %add3A_52 = arith.constant 48 : i32
      %add3A_53 = arith.addi %mul3A_51, %add3A_52 : i32
      %multiple_of3A_54 = tpu.assume_multiple %add3A_53, 16 : i32
      %swap3A_55 = arith.index_cast %multiple_of3A_54 : i32 to index
      %swap3A_56 = tpu.vector_load %arg5[%swap3A_55] {strides = array<i32>} : memref<13312xi32, #tpu.memory_space<vmem>>, vector<16xi32>,
      tpu.vector_store %arg5[%swap3A_55], %get3A_49 {strides = array<i32>} : memref<13312xi32, #tpu.memory_space<vmem>>, vector<16xi32>,
      %get3A_57 = arith.constant 4 : i32
      %get3A_58 = arith.index_cast %get3A_57 : i32 to index
      %get3A_59 = arith.index_cast %multiple_of3A_14 : i32 to index
      %get3A_60 = tpu.vector_load %arg4[%get3A_58, %get3A_59] {strides = array<i32>} : memref<26x512xi32, #tpu.memory_space<vmem>>, vector<16xi32>,
      %mul3A_61 = arith.constant 416 : i32
      %mul3A_62 = arith.muli %scan3A_11, %mul3A_61 : i32
      %add3A_63 = arith.constant 64 : i32
      %add3A_64 = arith.addi %mul3A_62, %add3A_63 : i32
      %multiple_of3A_65 = tpu.assume_multiple %add3A_64, 16 : i32
      %swap3A_66 = arith.index_cast %multiple_of3A_65 : i32 to index
      %swap3A_67 = tpu.vector_load %arg5[%swap3A_66] {strides = array<i32>} : memref<13312xi32, #tpu.memory_space<vmem>>, vector<16xi32>,
      tpu.vector_store %arg5[%swap3A_66], %get3A_60 {strides = array<i32>} : memref<13312xi32, #tpu.memory_space<vmem>>, vector<16xi32>,
      %get3A_68 = arith.constant 5 : i32
      %get3A_69 = arith.index_cast %get3A_68 : i32 to index
      %get3A_70 = arith.index_cast %multiple_of3A_14 : i32 to index
      %get3A_71 = tpu.vector_load %arg4[%get3A_69, %get3A_70] {strides = array<i32>} : memref<26x512xi32, #tpu.memory_space<vmem>>, vector<16xi32>,
      %mul3A_72 = arith.constant 416 : i32
      %mul3A_73 = arith.muli %scan3A_11, %mul3A_72 : i32
      %add3A_74 = arith.constant 80 : i32
      %add3A_75 = arith.addi %mul3A_73, %add3A_74 : i32
      %multiple_of3A_76 = tpu.assume_multiple %add3A_75, 16 : i32
      %swap3A_77 = arith.index_cast %multiple_of3A_76 : i32 to index
      %swap3A_78 = tpu.vector_load %arg5[%swap3A_77] {strides = array<i32>} : memref<13312xi32, #tpu.memory_space<vmem>>, vector<16xi32>,
      tpu.vector_store %arg5[%swap3A_77], %get3A_71 {strides = array<i32>} : memref<13312xi32, #tpu.memory_space<vmem>>, vector<16xi32>,
      %get3A_79 = arith.constant 6 : i32
      %get3A_80 = arith.index_cast %get3A_79 : i32 to index
      %get3A_81 = arith.index_cast %multiple_of3A_14 : i32 to index
      %get3A_82 = tpu.vector_load %arg4[%get3A_80, %get3A_81] {strides = array<i32>} : memref<26x512xi32, #tpu.memory_space<vmem>>, vector<16xi32>,
      %mul3A_83 = arith.constant 416 : i32
      %mul3A_84 = arith.muli %scan3A_11, %mul3A_83 : i32
      %add3A_85 = arith.constant 96 : i32
      %add3A_86 = arith.addi %mul3A_84, %add3A_85 : i32
      %multiple_of3A_87 = tpu.assume_multiple %add3A_86, 16 : i32
      %swap3A_88 = arith.index_cast %multiple_of3A_87 : i32 to index
      %swap3A_89 = tpu.vector_load %arg5[%swap3A_88] {strides = array<i32>} : memref<13312xi32, #tpu.memory_space<vmem>>, vector<16xi32>,
      tpu.vector_store %arg5[%swap3A_88], %get3A_82 {strides = array<i32>} : memref<13312xi32, #tpu.memory_space<vmem>>, vector<16xi32>,
      %get3A_90 = arith.constant 7 : i32
      %get3A_91 = arith.index_cast %get3A_90 : i32 to index
      %get3A_92 = arith.index_cast %multiple_of3A_14 : i32 to index
      %get3A_93 = tpu.vector_load %arg4[%get3A_91, %get3A_92] {strides = array<i32>} : memref<26x512xi32, #tpu.memory_space<vmem>>, vector<16xi32>,
      %mul3A_94 = arith.constant 416 : i32
      %mul3A_95 = arith.muli %scan3A_11, %mul3A_94 : i32
      %add3A_96 = arith.constant 112 : i32
      %add3A_97 = arith.addi %mul3A_95, %add3A_96 : i32
      %multiple_of3A_98 = tpu.assume_multiple %add3A_97, 16 : i32
      %swap3A_99 = arith.index_cast %multiple_of3A_98 : i32 to index
      %swap3A_100 = tpu.vector_load %arg5[%swap3A_99] {strides = array<i32>} : memref<13312xi32, #tpu.memory_space<vmem>>, vector<16xi32>,
      tpu.vector_store %arg5[%swap3A_99], %get3A_93 {strides = array<i32>} : memref<13312xi32, #tpu.memory_space<vmem>>, vector<16xi32>,
      %get3A_101 = arith.constant 8 : i32
      %get3A_102 = arith.index_cast %get3A_101 : i32 to index
      %get3A_103 = arith.index_cast %multiple_of3A_14 : i32 to index
      %get3A_104 = tpu.vector_load %arg4[%get3A_102, %get3A_103] {strides = array<i32>} : memref<26x512xi32, #tpu.memory_space<vmem>>, vector<16xi32>,
      %mul3A_105 = arith.constant 416 : i32
      %mul3A_106 = arith.muli %scan3A_11, %mul3A_105 : i32
      %add3A_107 = arith.constant 128 : i32
      %add3A_108 = arith.addi %mul3A_106, %add3A_107 : i32
      %multiple_of3A_109 = tpu.assume_multiple %add3A_108, 16 : i32
      %swap3A_110 = arith.index_cast %multiple_of3A_109 : i32 to index
      %swap3A_111 = tpu.vector_load %arg5[%swap3A_110] {strides = array<i32>} : memref<13312xi32, #tpu.memory_space<vmem>>, vector<16xi32>,
      tpu.vector_store %arg5[%swap3A_110], %get3A_104 {strides = array<i32>} : memref<13312xi32, #tpu.memory_space<vmem>>, vector<16xi32>,
      %get3A_112 = arith.constant 9 : i32
      %get3A_113 = arith.index_cast %get3A_112 : i32 to index
      %get3A_114 = arith.index_cast %multiple_of3A_14 : i32 to index
      %get3A_115 = tpu.vector_load %arg4[%get3A_113, %get3A_114] {strides = array<i32>} : memref<26x512xi32, #tpu.memory_space<vmem>>, vector<16xi32>,
      %mul3A_116 = arith.constant 416 : i32
      %mul3A_117 = arith.muli %scan3A_11, %mul3A_116 : i32
      %add3A_118 = arith.constant 144 : i32
      %add3A_119 = arith.addi %mul3A_117, %add3A_118 : i32
      %multiple_of3A_120 = tpu.assume_multiple %add3A_119, 16 : i32
      %swap3A_121 = arith.index_cast %multiple_of3A_120 : i32 to index
      %swap3A_122 = tpu.vector_load %arg5[%swap3A_121] {strides = array<i32>} : memref<13312xi32, #tpu.memory_space<vmem>>, vector<16xi32>,
      tpu.vector_store %arg5[%swap3A_121], %get3A_115 {strides = array<i32>} : memref<13312xi32, #tpu.memory_space<vmem>>, vector<16xi32>,
      %get3A_123 = arith.constant 10 : i32
      %get3A_124 = arith.index_cast %get3A_123 : i32 to index
      %get3A_125 = arith.index_cast %multiple_of3A_14 : i32 to index
      %get3A_126 = tpu.vector_load %arg4[%get3A_124, %get3A_125] {strides = array<i32>} : memref<26x512xi32, #tpu.memory_space<vmem>>, vector<16xi32>,
      %mul3A_127 = arith.constant 416 : i32
      %mul3A_128 = arith.muli %scan3A_11, %mul3A_127 : i32
      %add3A_129 = arith.constant 160 : i32
      %add3A_130 = arith.addi %mul3A_128, %add3A_129 : i32
      %multiple_of3A_131 = tpu.assume_multiple %add3A_130, 16 : i32
      %swap3A_132 = arith.index_cast %multiple_of3A_131 : i32 to index
      %swap3A_133 = tpu.vector_load %arg5[%swap3A_132] {strides = array<i32>} : memref<13312xi32, #tpu.memory_space<vmem>>, vector<16xi32>,
      tpu.vector_store %arg5[%swap3A_132], %get3A_126 {strides = array<i32>} : memref<13312xi32, #tpu.memory_space<vmem>>, vector<16xi32>,
      %get3A_134 = arith.constant 11 : i32
      %get3A_135 = arith.index_cast %get3A_134 : i32 to index
      %get3A_136 = arith.index_cast %multiple_of3A_14 : i32 to index
      %get3A_137 = tpu.vector_load %arg4[%get3A_135, %get3A_136] {strides = array<i32>} : memref<26x512xi32, #tpu.memory_space<vmem>>, vector<16xi32>,
      %mul3A_138 = arith.constant 416 : i32
      %mul3A_139 = arith.muli %scan3A_11, %mul3A_138 : i32
      %add3A_140 = arith.constant 176 : i32
      %add3A_141 = arith.addi %mul3A_139, %add3A_140 : i32
      %multiple_of3A_142 = tpu.assume_multiple %add3A_141, 16 : i32
      %swap3A_143 = arith.index_cast %multiple_of3A_142 : i32 to index
      %swap3A_144 = tpu.vector_load %arg5[%swap3A_143] {strides = array<i32>} : memref<13312xi32, #tpu.memory_space<vmem>>, vector<16xi32>,
      tpu.vector_store %arg5[%swap3A_143], %get3A_137 {strides = array<i32>} : memref<13312xi32, #tpu.memory_space<vmem>>, vector<16xi32>,
      %get3A_145 = arith.constant 12 : i32
      %get3A_146 = arith.index_cast %get3A_145 : i32 to index
      %get3A_147 = arith.index_cast %multiple_of3A_14 : i32 to index
      %get3A_148 = tpu.vector_load %arg4[%get3A_146, %get3A_147] {strides = array<i32>} : memref<26x512xi32, #tpu.memory_space<vmem>>, vector<16xi32>,
      %mul3A_149 = arith.constant 416 : i32
      %mul3A_150 = arith.muli %scan3A_11, %mul3A_149 : i32
      %add3A_151 = arith.constant 192 : i32
      %add3A_152 = arith.addi %mul3A_150, %add3A_151 : i32
      %multiple_of3A_153 = tpu.assume_multiple %add3A_152, 16 : i32
      %swap3A_154 = arith.index_cast %multiple_of3A_153 : i32 to index
      %swap3A_155 = tpu.vector_load %arg5[%swap3A_154] {strides = array<i32>} : memref<13312xi32, #tpu.memory_space<vmem>>, vector<16xi32>,
      tpu.vector_store %arg5[%swap3A_154], %get3A_148 {strides = array<i32>} : memref<13312xi32, #tpu.memory_space<vmem>>, vector<16xi32>,
      %get3A_156 = arith.constant 13 : i32
      %get3A_157 = arith.index_cast %get3A_156 : i32 to index
      %get3A_158 = arith.index_cast %multiple_of3A_14 : i32 to index
      %get3A_159 = tpu.vector_load %arg4[%get3A_157, %get3A_158] {strides = array<i32>} : memref<26x512xi32, #tpu.memory_space<vmem>>, vector<16xi32>,
      %mul3A_160 = arith.constant 416 : i32
      %mul3A_161 = arith.muli %scan3A_11, %mul3A_160 : i32
      %add3A_162 = arith.constant 208 : i32
      %add3A_163 = arith.addi %mul3A_161, %add3A_162 : i32
      %multiple_of3A_164 = tpu.assume_multiple %add3A_163, 16 : i32
      %swap3A_165 = arith.index_cast %multiple_of3A_164 : i32 to index
      %swap3A_166 = tpu.vector_load %arg5[%swap3A_165] {strides = array<i32>} : memref<13312xi32, #tpu.memory_space<vmem>>, vector<16xi32>,
      tpu.vector_store %arg5[%swap3A_165], %get3A_159 {strides = array<i32>} : memref<13312xi32, #tpu.memory_space<vmem>>, vector<16xi32>,
      %get3A_167 = arith.constant 14 : i32
      %get3A_168 = arith.index_cast %get3A_167 : i32 to index
      %get3A_169 = arith.index_cast %multiple_of3A_14 : i32 to index
      %get3A_170 = tpu.vector_load %arg4[%get3A_168, %get3A_169] {strides = array<i32>} : memref<26x512xi32, #tpu.memory_space<vmem>>, vector<16xi32>,
      %mul3A_171 = arith.constant 416 : i32
      %mul3A_172 = arith.muli %scan3A_11, %mul3A_171 : i32
      %add3A_173 = arith.constant 224 : i32
      %add3A_174 = arith.addi %mul3A_172, %add3A_173 : i32
      %multiple_of3A_175 = tpu.assume_multiple %add3A_174, 16 : i32
      %swap3A_176 = arith.index_cast %multiple_of3A_175 : i32 to index
      %swap3A_177 = tpu.vector_load %arg5[%swap3A_176] {strides = array<i32>} : memref<13312xi32, #tpu.memory_space<vmem>>, vector<16xi32>,
      tpu.vector_store %arg5[%swap3A_176], %get3A_170 {strides = array<i32>} : memref<13312xi32, #tpu.memory_space<vmem>>, vector<16xi32>,
      %get3A_178 = arith.constant 15 : i32
      %get3A_179 = arith.index_cast %get3A_178 : i32 to index
      %get3A_180 = arith.index_cast %multiple_of3A_14 : i32 to index
      %get3A_181 = tpu.vector_load %arg4[%get3A_179, %get3A_180] {strides = array<i32>} : memref<26x512xi32, #tpu.memory_space<vmem>>, vector<16xi32>,
      %mul3A_182 = arith.constant 416 : i32
      %mul3A_183 = arith.muli %scan3A_11, %mul3A_182 : i32
      %add3A_184 = arith.constant 240 : i32
      %add3A_185 = arith.addi %mul3A_183, %add3A_184 : i32
      %multiple_of3A_186 = tpu.assume_multiple %add3A_185, 16 : i32
      %swap3A_187 = arith.index_cast %multiple_of3A_186 : i32 to index
      %swap3A_188 = tpu.vector_load %arg5[%swap3A_187] {strides = array<i32>} : memref<13312xi32, #tpu.memory_space<vmem>>, vector<16xi32>,
      tpu.vector_store %arg5[%swap3A_187], %get3A_181 {strides = array<i32>} : memref<13312xi32, #tpu.memory_space<vmem>>, vector<16xi32>,
      %get3A_189 = arith.constant 16 : i32
      %get3A_190 = arith.index_cast %get3A_189 : i32 to index
      %get3A_191 = arith.index_cast %multiple_of3A_14 : i32 to index
      %get3A_192 = tpu.vector_load %arg4[%get3A_190, %get3A_191] {strides = array<i32>} : memref<26x512xi32, #tpu.memory_space<vmem>>, vector<16xi32>,
      %mul3A_193 = arith.constant 416 : i32
      %mul3A_194 = arith.muli %scan3A_11, %mul3A_193 : i32
      %add3A_195 = arith.constant 256 : i32
      %add3A_196 = arith.addi %mul3A_194, %add3A_195 : i32
      %multiple_of3A_197 = tpu.assume_multiple %add3A_196, 16 : i32
      %swap3A_198 = arith.index_cast %multiple_of3A_197 : i32 to index
      %swap3A_199 = tpu.vector_load %arg5[%swap3A_198] {strides = array<i32>} : memref<13312xi32, #tpu.memory_space<vmem>>, vector<16xi32>,
      tpu.vector_store %arg5[%swap3A_198], %get3A_192 {strides = array<i32>} : memref<13312xi32, #tpu.memory_space<vmem>>, vector<16xi32>,
      %get3A_200 = arith.constant 17 : i32
      %get3A_201 = arith.index_cast %get3A_200 : i32 to index
      %get3A_202 = arith.index_cast %multiple_of3A_14 : i32 to index
      %get3A_203 = tpu.vector_load %arg4[%get3A_201, %get3A_202] {strides = array<i32>} : memref<26x512xi32, #tpu.memory_space<vmem>>, vector<16xi32>,
      %mul3A_204 = arith.constant 416 : i32
      %mul3A_205 = arith.muli %scan3A_11, %mul3A_204 : i32
      %add3A_206 = arith.constant 272 : i32
      %add3A_207 = arith.addi %mul3A_205, %add3A_206 : i32
      %multiple_of3A_208 = tpu.assume_multiple %add3A_207, 16 : i32
      %swap3A_209 = arith.index_cast %multiple_of3A_208 : i32 to index
      %swap3A_210 = tpu.vector_load %arg5[%swap3A_209] {strides = array<i32>} : memref<13312xi32, #tpu.memory_space<vmem>>, vector<16xi32>,
      tpu.vector_store %arg5[%swap3A_209], %get3A_203 {strides = array<i32>} : memref<13312xi32, #tpu.memory_space<vmem>>, vector<16xi32>,
      %get3A_211 = arith.constant 18 : i32
      %get3A_212 = arith.index_cast %get3A_211 : i32 to index
      %get3A_213 = arith.index_cast %multiple_of3A_14 : i32 to index
      %get3A_214 = tpu.vector_load %arg4[%get3A_212, %get3A_213] {strides = array<i32>} : memref<26x512xi32, #tpu.memory_space<vmem>>, vector<16xi32>,
      %mul3A_215 = arith.constant 416 : i32
      %mul3A_216 = arith.muli %scan3A_11, %mul3A_215 : i32
      %add3A_217 = arith.constant 288 : i32
      %add3A_218 = arith.addi %mul3A_216, %add3A_217 : i32
      %multiple_of3A_219 = tpu.assume_multiple %add3A_218, 16 : i32
      %swap3A_220 = arith.index_cast %multiple_of3A_219 : i32 to index
      %swap3A_221 = tpu.vector_load %arg5[%swap3A_220] {strides = array<i32>} : memref<13312xi32, #tpu.memory_space<vmem>>, vector<16xi32>,
      tpu.vector_store %arg5[%swap3A_220], %get3A_214 {strides = array<i32>} : memref<13312xi32, #tpu.memory_space<vmem>>, vector<16xi32>,
      %get3A_222 = arith.constant 19 : i32
      %get3A_223 = arith.index_cast %get3A_222 : i32 to index
      %get3A_224 = arith.index_cast %multiple_of3A_14 : i32 to index
      %get3A_225 = tpu.vector_load %arg4[%get3A_223, %get3A_224] {strides = array<i32>} : memref<26x512xi32, #tpu.memory_space<vmem>>, vector<16xi32>,
      %mul3A_226 = arith.constant 416 : i32
      %mul3A_227 = arith.muli %scan3A_11, %mul3A_226 : i32
      %add3A_228 = arith.constant 304 : i32
      %add3A_229 = arith.addi %mul3A_227, %add3A_228 : i32
      %multiple_of3A_230 = tpu.assume_multiple %add3A_229, 16 : i32
      %swap3A_231 = arith.index_cast %multiple_of3A_230 : i32 to index
      %swap3A_232 = tpu.vector_load %arg5[%swap3A_231] {strides = array<i32>} : memref<13312xi32, #tpu.memory_space<vmem>>, vector<16xi32>,
      tpu.vector_store %arg5[%swap3A_231], %get3A_225 {strides = array<i32>} : memref<13312xi32, #tpu.memory_space<vmem>>, vector<16xi32>,
      %get3A_233 = arith.constant 20 : i32
      %get3A_234 = arith.index_cast %get3A_233 : i32 to index
      %get3A_235 = arith.index_cast %multiple_of3A_14 : i32 to index
      %get3A_236 = tpu.vector_load %arg4[%get3A_234, %get3A_235] {strides = array<i32>} : memref<26x512xi32, #tpu.memory_space<vmem>>, vector<16xi32>,
      %mul3A_237 = arith.constant 416 : i32
      %mul3A_238 = arith.muli %scan3A_11, %mul3A_237 : i32
      %add3A_239 = arith.constant 320 : i32
      %add3A_240 = arith.addi %mul3A_238, %add3A_239 : i32
      %multiple_of3A_241 = tpu.assume_multiple %add3A_240, 16 : i32
      %swap3A_242 = arith.index_cast %multiple_of3A_241 : i32 to index
      %swap3A_243 = tpu.vector_load %arg5[%swap3A_242] {strides = array<i32>} : memref<13312xi32, #tpu.memory_space<vmem>>, vector<16xi32>,
      tpu.vector_store %arg5[%swap3A_242], %get3A_236 {strides = array<i32>} : memref<13312xi32, #tpu.memory_space<vmem>>, vector<16xi32>,
      %get3A_244 = arith.constant 21 : i32
      %get3A_245 = arith.index_cast %get3A_244 : i32 to index
      %get3A_246 = arith.index_cast %multiple_of3A_14 : i32 to index
      %get3A_247 = tpu.vector_load %arg4[%get3A_245, %get3A_246] {strides = array<i32>} : memref<26x512xi32, #tpu.memory_space<vmem>>, vector<16xi32>,
      %mul3A_248 = arith.constant 416 : i32
      %mul3A_249 = arith.muli %scan3A_11, %mul3A_248 : i32
      %add3A_250 = arith.constant 336 : i32
      %add3A_251 = arith.addi %mul3A_249, %add3A_250 : i32
      %multiple_of3A_252 = tpu.assume_multiple %add3A_251, 16 : i32
      %swap3A_253 = arith.index_cast %multiple_of3A_252 : i32 to index
      %swap3A_254 = tpu.vector_load %arg5[%swap3A_253] {strides = array<i32>} : memref<13312xi32, #tpu.memory_space<vmem>>, vector<16xi32>,
      tpu.vector_store %arg5[%swap3A_253], %get3A_247 {strides = array<i32>} : memref<13312xi32, #tpu.memory_space<vmem>>, vector<16xi32>,
      %get3A_255 = arith.constant 22 : i32
      %get3A_256 = arith.index_cast %get3A_255 : i32 to index
      %get3A_257 = arith.index_cast %multiple_of3A_14 : i32 to index
      %get3A_258 = tpu.vector_load %arg4[%get3A_256, %get3A_257] {strides = array<i32>} : memref<26x512xi32, #tpu.memory_space<vmem>>, vector<16xi32>,
      %mul3A_259 = arith.constant 416 : i32
      %mul3A_260 = arith.muli %scan3A_11, %mul3A_259 : i32
      %add3A_261 = arith.constant 352 : i32
      %add3A_262 = arith.addi %mul3A_260, %add3A_261 : i32
      %multiple_of3A_263 = tpu.assume_multiple %add3A_262, 16 : i32
      %swap3A_264 = arith.index_cast %multiple_of3A_263 : i32 to index
      %swap3A_265 = tpu.vector_load %arg5[%swap3A_264] {strides = array<i32>} : memref<13312xi32, #tpu.memory_space<vmem>>, vector<16xi32>,
      tpu.vector_store %arg5[%swap3A_264], %get3A_258 {strides = array<i32>} : memref<13312xi32, #tpu.memory_space<vmem>>, vector<16xi32>,
      %get3A_266 = arith.constant 23 : i32
      %get3A_267 = arith.index_cast %get3A_266 : i32 to index
      %get3A_268 = arith.index_cast %multiple_of3A_14 : i32 to index
      %get3A_269 = tpu.vector_load %arg4[%get3A_267, %get3A_268] {strides = array<i32>} : memref<26x512xi32, #tpu.memory_space<vmem>>, vector<16xi32>,
      %mul3A_270 = arith.constant 416 : i32
      %mul3A_271 = arith.muli %scan3A_11, %mul3A_270 : i32
      %add3A_272 = arith.constant 368 : i32
      %add3A_273 = arith.addi %mul3A_271, %add3A_272 : i32
      %multiple_of3A_274 = tpu.assume_multiple %add3A_273, 16 : i32
      %swap3A_275 = arith.index_cast %multiple_of3A_274 : i32 to index
      %swap3A_276 = tpu.vector_load %arg5[%swap3A_275] {strides = array<i32>} : memref<13312xi32, #tpu.memory_space<vmem>>, vector<16xi32>,
      tpu.vector_store %arg5[%swap3A_275], %get3A_269 {strides = array<i32>} : memref<13312xi32, #tpu.memory_space<vmem>>, vector<16xi32>,
      %get3A_277 = arith.constant 24 : i32
      %get3A_278 = arith.index_cast %get3A_277 : i32 to index
      %get3A_279 = arith.index_cast %multiple_of3A_14 : i32 to index
      %get3A_280 = tpu.vector_load %arg4[%get3A_278, %get3A_279] {strides = array<i32>} : memref<26x512xi32, #tpu.memory_space<vmem>>, vector<16xi32>,
      %mul3A_281 = arith.constant 416 : i32
      %mul3A_282 = arith.muli %scan3A_11, %mul3A_281 : i32
      %add3A_283 = arith.constant 384 : i32
      %add3A_284 = arith.addi %mul3A_282, %add3A_283 : i32
      %multiple_of3A_285 = tpu.assume_multiple %add3A_284, 16 : i32
      %swap3A_286 = arith.index_cast %multiple_of3A_285 : i32 to index
      %swap3A_287 = tpu.vector_load %arg5[%swap3A_286] {strides = array<i32>} : memref<13312xi32, #tpu.memory_space<vmem>>, vector<16xi32>,
      tpu.vector_store %arg5[%swap3A_286], %get3A_280 {strides = array<i32>} : memref<13312xi32, #tpu.memory_space<vmem>>, vector<16xi32>,
      %get3A_288 = arith.constant 25 : i32
      %get3A_289 = arith.index_cast %get3A_288 : i32 to index
      %get3A_290 = arith.index_cast %multiple_of3A_14 : i32 to index
      %get3A_291 = tpu.vector_load %arg4[%get3A_289, %get3A_290] {strides = array<i32>} : memref<26x512xi32, #tpu.memory_space<vmem>>, vector<16xi32>,
      %mul3A_292 = arith.constant 416 : i32
      %mul3A_293 = arith.muli %scan3A_11, %mul3A_292 : i32
      %add3A_294 = arith.constant 400 : i32
      %add3A_295 = arith.addi %mul3A_293, %add3A_294 : i32
      %multiple_of3A_296 = tpu.assume_multiple %add3A_295, 16 : i32
      %swap3A_297 = arith.index_cast %multiple_of3A_296 : i32 to index
      %swap3A_298 = tpu.vector_load %arg5[%swap3A_297] {strides = array<i32>} : memref<13312xi32, #tpu.memory_space<vmem>>, vector<16xi32>,
      tpu.vector_store %arg5[%swap3A_297], %get3A_291 {strides = array<i32>} : memref<13312xi32, #tpu.memory_space<vmem>>, vector<16xi32>,
    }
    %scan3A_7 = arith.constant 32 : i32
    %mul3A_8 = arith.constant 13312 : i32
    %mul3A_9 = arith.muli %add3A, %mul3A_8 : i32
    %multiple_of3A_10 = tpu.assume_multiple %mul3A_9, 13312 : i32
    "tpu.region"() ({
      %run_scoped3A = tpu.sem_alloc : memref<!tpu.dma_semaphore, #tpu.memory_space<semaphore_mem>>
      %dma_start3A = tpu.memref_slice %arg3[%multiple_of3A_10] : memref<425984xi32, #tpu.memory_space<hbm>> -> memref<13312xi32, #tpu.memory_space<hbm>>
      %dma_start3A_11 = tpu.memref_slice %arg3[%multiple_of3A_10] : memref<425984xi32, #tpu.memory_space<hbm>> -> memref<13312xi32, #tpu.memory_space<hbm>>
      tpu.enqueue_dma source(%arg5 : memref<13312xi32, #tpu.memory_space<vmem>>) target(%dma_start3A_11 : memref<13312xi32, #tpu.memory_space<hbm>>) target_semaphore(%run_scoped3A : memref<!tpu.dma_semaphore, #tpu.memory_space<semaphore_mem>>)
      %dma_wait3A = tpu.memref_slice %arg3[%multiple_of3A_10] : memref<425984xi32, #tpu.memory_space<hbm>> -> memref<13312xi32, #tpu.memory_space<hbm>>
      %dma_wait3A_12 = tpu.memref_slice %arg3[%multiple_of3A_10] : memref<425984xi32, #tpu.memory_space<hbm>> -> memref<13312xi32, #tpu.memory_space<hbm>>
      tpu.wait_dma2 semaphore(%run_scoped3A : memref<!tpu.dma_semaphore, #tpu.memory_space<semaphore_mem>>) src(%arg5 : memref<13312xi32, #tpu.memory_space<vmem>>) dst(%dma_wait3A_12 : memref<13312xi32, #tpu.memory_space<hbm>>)
      tpu.yield
    }) : () -> ()
    return
  }
}

#map = affine_map<(d0, d1) -> (0)>
module attributes {stable_mosaic.version = 14 : i64} {
  func.func @_gather_kernel(%arg0: i32, %arg1: i32, %arg2: memref<425984xi32, #tpu.memory_space<hbm>>, %arg3: memref<2600000xf32, #tpu.memory_space<hbm>>, %arg4: memref<16384xf32, #tpu.memory_space<hbm>>, %arg5: memref<13312xi32, #tpu.memory_space<vmem>>, %arg6: memref<13312xf32, #tpu.memory_space<vmem>>, %arg7: memref<512xf32, #tpu.memory_space<vmem>>, %arg8: memref<8x!tpu.dma_semaphore, #tpu.memory_space<semaphore_mem>>) attributes {dimension_semantics = [#tpu.dimension_semantics<core_parallel>, #tpu.dimension_semantics<subcore_parallel>], iteration_bounds = array<i64: 2, 16>, scalar_prefetch = 0 : i64, scratch_operands = 4 : i64, tpu.core_type = #tpu.core_type<sc_vector_subcore>, window_params = [{transform_indices = #map}, {transform_indices = #map}, {transform_indices = #map}]} {
    %mul3A = arith.constant 2 : i32
    %mul3A_0 = arith.muli %arg1, %mul3A : i32
    %add3A = arith.addi %mul3A_0, %arg0 : i32
    %mul3A_1 = arith.constant 13312 : i32
    %mul3A_2 = arith.muli %add3A, %mul3A_1 : i32
    %multiple_of3A = tpu.assume_multiple %mul3A_2, 13312 : i32
    "tpu.region"() ({
      %run_scoped3A = tpu.sem_alloc : memref<!tpu.dma_semaphore, #tpu.memory_space<semaphore_mem>>
      %dma_start3A = tpu.memref_slice %arg2[%multiple_of3A] : memref<425984xi32, #tpu.memory_space<hbm>> -> memref<13312xi32, #tpu.memory_space<hbm>>
      %dma_start3A_17 = tpu.memref_slice %arg2[%multiple_of3A] : memref<425984xi32, #tpu.memory_space<hbm>> -> memref<13312xi32, #tpu.memory_space<hbm>>
      tpu.enqueue_dma source(%dma_start3A_17 : memref<13312xi32, #tpu.memory_space<hbm>>) target(%arg5 : memref<13312xi32, #tpu.memory_space<vmem>>) target_semaphore(%run_scoped3A : memref<!tpu.dma_semaphore, #tpu.memory_space<semaphore_mem>>)
      %dma_wait3A = tpu.memref_slice %arg2[%multiple_of3A] : memref<425984xi32, #tpu.memory_space<hbm>> -> memref<13312xi32, #tpu.memory_space<hbm>>
      %dma_wait3A_18 = tpu.memref_slice %arg2[%multiple_of3A] : memref<425984xi32, #tpu.memory_space<hbm>> -> memref<13312xi32, #tpu.memory_space<hbm>>
      tpu.wait_dma2 semaphore(%run_scoped3A : memref<!tpu.dma_semaphore, #tpu.memory_space<semaphore_mem>>) src(%dma_wait3A_18 : memref<13312xi32, #tpu.memory_space<hbm>>) dst(%arg5 : memref<13312xi32, #tpu.memory_space<vmem>>)
      tpu.yield
    }) : () -> ()
    %scan3A = arith.constant 0 : i32
    %scan3A_3 = arith.constant 0 : i32
    %scan3A_4 = arith.constant 104 : i32
    %scan3A_5 = arith.addi %scan3A_3, %scan3A_4 : i32
    %scan3A_6 = arith.constant 4 : i32
    scf.for %scan3A_17 = %scan3A_3 to %scan3A_5 step %scan3A_6  : i32 {
      %mul3A_18 = arith.constant 128 : i32
      %mul3A_19 = arith.muli %scan3A_17, %mul3A_18 : i32
      %multiple_of3A_20 = tpu.assume_multiple %mul3A_19, 128 : i32
      %jit3A = arith.constant 13 : i32
      %div3A = arith.divsi %scan3A_17, %jit3A : i32
      %sign3A = arith.constant 0 : i32
      %sign3A_21 = arith.cmpi sgt, %scan3A_17, %sign3A : i32
      %sign3A_22 = arith.extui %sign3A_21 : i1 to i32
      %sign3A_23 = arith.constant 0 : i32
      %sign3A_24 = arith.cmpi slt, %scan3A_17, %sign3A_23 : i32
      %sign3A_25 = arith.extui %sign3A_24 : i1 to i32
      %sign3A_26 = arith.subi %sign3A_22, %sign3A_25 : i32
      %sign3A_27 = arith.constant 0 : i32
      %sign3A_28 = arith.cmpi sgt, %jit3A, %sign3A_27 : i32
      %sign3A_29 = arith.extui %sign3A_28 : i1 to i32
      %sign3A_30 = arith.constant 0 : i32
      %sign3A_31 = arith.cmpi slt, %jit3A, %sign3A_30 : i32
      %sign3A_32 = arith.extui %sign3A_31 : i1 to i32
      %sign3A_33 = arith.subi %sign3A_29, %sign3A_32 : i32
      %ne3A = arith.cmpi ne, %sign3A_26, %sign3A_33 : i32
      %rem3A = arith.remsi %scan3A_17, %jit3A : i32
      %ne3A_34 = arith.constant 0 : i32
      %ne3A_35 = arith.cmpi ne, %rem3A, %ne3A_34 : i32
      %and3A = arith.andi %ne3A, %ne3A_35 : i1
      %sub3A = arith.constant 1 : i32
      %sub3A_36 = arith.subi %div3A, %sub3A : i32
      %select_n3A = arith.select %and3A, %sub3A_36, %div3A : i32
      %dma_start3A = tpu.memref_slice %arg6[%multiple_of3A_20] : memref<13312xf32, #tpu.memory_space<vmem>> -> memref<128xf32, #tpu.memory_space<vmem>>
      %dma_start3A_37 = tpu.memref_slice %arg5[%multiple_of3A_20] : memref<13312xi32, #tpu.memory_space<vmem>> -> memref<128xi32, #tpu.memory_space<vmem>>
      %dma_start3A_38 = arith.constant 0 : i32
      %dma_start3A_39 = tpu.memref_slice %arg3[%dma_start3A_38] : memref<2600000xf32, #tpu.memory_space<hbm>> -> memref<2600000xf32, #tpu.memory_space<hbm>>
      %dma_start3A_40 = tpu.memref_slice %arg8[%select_n3A] : memref<8x!tpu.dma_semaphore, #tpu.memory_space<semaphore_mem>> -> memref<1x!tpu.dma_semaphore, #tpu.memory_space<semaphore_mem>>
      %dma_start3A_41 = tpu.memref_squeeze %dma_start3A_40 : memref<1x!tpu.dma_semaphore, #tpu.memory_space<semaphore_mem>> -> memref<!tpu.dma_semaphore, #tpu.memory_space<semaphore_mem>>
      tpu.enqueue_indirect_dma source(%dma_start3A_39 : memref<2600000xf32, #tpu.memory_space<hbm>>) target(%dma_start3A : memref<128xf32, #tpu.memory_space<vmem>>) offsets(%dma_start3A_37 : memref<128xi32, #tpu.memory_space<vmem>>) semaphore(%dma_start3A_41 : memref<!tpu.dma_semaphore, #tpu.memory_space<semaphore_mem>>)
      %scan3A_42 = arith.constant 1 : i32
      %scan3A_43 = arith.addi %scan3A_17, %scan3A_42 : i32
      %mul3A_44 = arith.constant 128 : i32
      %mul3A_45 = arith.muli %scan3A_43, %mul3A_44 : i32
      %multiple_of3A_46 = tpu.assume_multiple %mul3A_45, 128 : i32
      %jit3A_47 = arith.constant 13 : i32
      %div3A_48 = arith.divsi %scan3A_43, %jit3A_47 : i32
      %sign3A_49 = arith.constant 0 : i32
      %sign3A_50 = arith.cmpi sgt, %scan3A_43, %sign3A_49 : i32
      %sign3A_51 = arith.extui %sign3A_50 : i1 to i32
      %sign3A_52 = arith.constant 0 : i32
      %sign3A_53 = arith.cmpi slt, %scan3A_43, %sign3A_52 : i32
      %sign3A_54 = arith.extui %sign3A_53 : i1 to i32
      %sign3A_55 = arith.subi %sign3A_51, %sign3A_54 : i32
      %sign3A_56 = arith.constant 0 : i32
      %sign3A_57 = arith.cmpi sgt, %jit3A_47, %sign3A_56 : i32
      %sign3A_58 = arith.extui %sign3A_57 : i1 to i32
      %sign3A_59 = arith.constant 0 : i32
      %sign3A_60 = arith.cmpi slt, %jit3A_47, %sign3A_59 : i32
      %sign3A_61 = arith.extui %sign3A_60 : i1 to i32
      %sign3A_62 = arith.subi %sign3A_58, %sign3A_61 : i32
      %ne3A_63 = arith.cmpi ne, %sign3A_55, %sign3A_62 : i32
      %rem3A_64 = arith.remsi %scan3A_43, %jit3A_47 : i32
      %ne3A_65 = arith.constant 0 : i32
      %ne3A_66 = arith.cmpi ne, %rem3A_64, %ne3A_65 : i32
      %and3A_67 = arith.andi %ne3A_63, %ne3A_66 : i1
      %sub3A_68 = arith.constant 1 : i32
      %sub3A_69 = arith.subi %div3A_48, %sub3A_68 : i32
      %select_n3A_70 = arith.select %and3A_67, %sub3A_69, %div3A_48 : i32
      %dma_start3A_71 = tpu.memref_slice %arg6[%multiple_of3A_46] : memref<13312xf32, #tpu.memory_space<vmem>> -> memref<128xf32, #tpu.memory_space<vmem>>
      %dma_start3A_72 = tpu.memref_slice %arg5[%multiple_of3A_46] : memref<13312xi32, #tpu.memory_space<vmem>> -> memref<128xi32, #tpu.memory_space<vmem>>
      %dma_start3A_73 = arith.constant 0 : i32
      %dma_start3A_74 = tpu.memref_slice %arg3[%dma_start3A_73] : memref<2600000xf32, #tpu.memory_space<hbm>> -> memref<2600000xf32, #tpu.memory_space<hbm>>
      %dma_start3A_75 = tpu.memref_slice %arg8[%select_n3A_70] : memref<8x!tpu.dma_semaphore, #tpu.memory_space<semaphore_mem>> -> memref<1x!tpu.dma_semaphore, #tpu.memory_space<semaphore_mem>>
      %dma_start3A_76 = tpu.memref_squeeze %dma_start3A_75 : memref<1x!tpu.dma_semaphore, #tpu.memory_space<semaphore_mem>> -> memref<!tpu.dma_semaphore, #tpu.memory_space<semaphore_mem>>
      tpu.enqueue_indirect_dma source(%dma_start3A_74 : memref<2600000xf32, #tpu.memory_space<hbm>>) target(%dma_start3A_71 : memref<128xf32, #tpu.memory_space<vmem>>) offsets(%dma_start3A_72 : memref<128xi32, #tpu.memory_space<vmem>>) semaphore(%dma_start3A_76 : memref<!tpu.dma_semaphore, #tpu.memory_space<semaphore_mem>>)
      %scan3A_77 = arith.constant 2 : i32
      %scan3A_78 = arith.addi %scan3A_17, %scan3A_77 : i32
      %mul3A_79 = arith.constant 128 : i32
      %mul3A_80 = arith.muli %scan3A_78, %mul3A_79 : i32
      %multiple_of3A_81 = tpu.assume_multiple %mul3A_80, 128 : i32
      %jit3A_82 = arith.constant 13 : i32
      %div3A_83 = arith.divsi %scan3A_78, %jit3A_82 : i32
      %sign3A_84 = arith.constant 0 : i32
      %sign3A_85 = arith.cmpi sgt, %scan3A_78, %sign3A_84 : i32
      %sign3A_86 = arith.extui %sign3A_85 : i1 to i32
      %sign3A_87 = arith.constant 0 : i32
      %sign3A_88 = arith.cmpi slt, %scan3A_78, %sign3A_87 : i32
      %sign3A_89 = arith.extui %sign3A_88 : i1 to i32
      %sign3A_90 = arith.subi %sign3A_86, %sign3A_89 : i32
      %sign3A_91 = arith.constant 0 : i32
      %sign3A_92 = arith.cmpi sgt, %jit3A_82, %sign3A_91 : i32
      %sign3A_93 = arith.extui %sign3A_92 : i1 to i32
      %sign3A_94 = arith.constant 0 : i32
      %sign3A_95 = arith.cmpi slt, %jit3A_82, %sign3A_94 : i32
      %sign3A_96 = arith.extui %sign3A_95 : i1 to i32
      %sign3A_97 = arith.subi %sign3A_93, %sign3A_96 : i32
      %ne3A_98 = arith.cmpi ne, %sign3A_90, %sign3A_97 : i32
      %rem3A_99 = arith.remsi %scan3A_78, %jit3A_82 : i32
      %ne3A_100 = arith.constant 0 : i32
      %ne3A_101 = arith.cmpi ne, %rem3A_99, %ne3A_100 : i32
      %and3A_102 = arith.andi %ne3A_98, %ne3A_101 : i1
      %sub3A_103 = arith.constant 1 : i32
      %sub3A_104 = arith.subi %div3A_83, %sub3A_103 : i32
      %select_n3A_105 = arith.select %and3A_102, %sub3A_104, %div3A_83 : i32
      %dma_start3A_106 = tpu.memref_slice %arg6[%multiple_of3A_81] : memref<13312xf32, #tpu.memory_space<vmem>> -> memref<128xf32, #tpu.memory_space<vmem>>
      %dma_start3A_107 = tpu.memref_slice %arg5[%multiple_of3A_81] : memref<13312xi32, #tpu.memory_space<vmem>> -> memref<128xi32, #tpu.memory_space<vmem>>
      %dma_start3A_108 = arith.constant 0 : i32
      %dma_start3A_109 = tpu.memref_slice %arg3[%dma_start3A_108] : memref<2600000xf32, #tpu.memory_space<hbm>> -> memref<2600000xf32, #tpu.memory_space<hbm>>
      %dma_start3A_110 = tpu.memref_slice %arg8[%select_n3A_105] : memref<8x!tpu.dma_semaphore, #tpu.memory_space<semaphore_mem>> -> memref<1x!tpu.dma_semaphore, #tpu.memory_space<semaphore_mem>>
      %dma_start3A_111 = tpu.memref_squeeze %dma_start3A_110 : memref<1x!tpu.dma_semaphore, #tpu.memory_space<semaphore_mem>> -> memref<!tpu.dma_semaphore, #tpu.memory_space<semaphore_mem>>
      tpu.enqueue_indirect_dma source(%dma_start3A_109 : memref<2600000xf32, #tpu.memory_space<hbm>>) target(%dma_start3A_106 : memref<128xf32, #tpu.memory_space<vmem>>) offsets(%dma_start3A_107 : memref<128xi32, #tpu.memory_space<vmem>>) semaphore(%dma_start3A_111 : memref<!tpu.dma_semaphore, #tpu.memory_space<semaphore_mem>>)
      %scan3A_112 = arith.constant 3 : i32
      %scan3A_113 = arith.addi %scan3A_17, %scan3A_112 : i32
      %mul3A_114 = arith.constant 128 : i32
      %mul3A_115 = arith.muli %scan3A_113, %mul3A_114 : i32
      %multiple_of3A_116 = tpu.assume_multiple %mul3A_115, 128 : i32
      %jit3A_117 = arith.constant 13 : i32
      %div3A_118 = arith.divsi %scan3A_113, %jit3A_117 : i32
      %sign3A_119 = arith.constant 0 : i32
      %sign3A_120 = arith.cmpi sgt, %scan3A_113, %sign3A_119 : i32
      %sign3A_121 = arith.extui %sign3A_120 : i1 to i32
      %sign3A_122 = arith.constant 0 : i32
      %sign3A_123 = arith.cmpi slt, %scan3A_113, %sign3A_122 : i32
      %sign3A_124 = arith.extui %sign3A_123 : i1 to i32
      %sign3A_125 = arith.subi %sign3A_121, %sign3A_124 : i32
      %sign3A_126 = arith.constant 0 : i32
      %sign3A_127 = arith.cmpi sgt, %jit3A_117, %sign3A_126 : i32
      %sign3A_128 = arith.extui %sign3A_127 : i1 to i32
      %sign3A_129 = arith.constant 0 : i32
      %sign3A_130 = arith.cmpi slt, %jit3A_117, %sign3A_129 : i32
      %sign3A_131 = arith.extui %sign3A_130 : i1 to i32
      %sign3A_132 = arith.subi %sign3A_128, %sign3A_131 : i32
      %ne3A_133 = arith.cmpi ne, %sign3A_125, %sign3A_132 : i32
      %rem3A_134 = arith.remsi %scan3A_113, %jit3A_117 : i32
      %ne3A_135 = arith.constant 0 : i32
      %ne3A_136 = arith.cmpi ne, %rem3A_134, %ne3A_135 : i32
      %and3A_137 = arith.andi %ne3A_133, %ne3A_136 : i1
      %sub3A_138 = arith.constant 1 : i32
      %sub3A_139 = arith.subi %div3A_118, %sub3A_138 : i32
      %select_n3A_140 = arith.select %and3A_137, %sub3A_139, %div3A_118 : i32
      %dma_start3A_141 = tpu.memref_slice %arg6[%multiple_of3A_116] : memref<13312xf32, #tpu.memory_space<vmem>> -> memref<128xf32, #tpu.memory_space<vmem>>
      %dma_start3A_142 = tpu.memref_slice %arg5[%multiple_of3A_116] : memref<13312xi32, #tpu.memory_space<vmem>> -> memref<128xi32, #tpu.memory_space<vmem>>
      %dma_start3A_143 = arith.constant 0 : i32
      %dma_start3A_144 = tpu.memref_slice %arg3[%dma_start3A_143] : memref<2600000xf32, #tpu.memory_space<hbm>> -> memref<2600000xf32, #tpu.memory_space<hbm>>
      %dma_start3A_145 = tpu.memref_slice %arg8[%select_n3A_140] : memref<8x!tpu.dma_semaphore, #tpu.memory_space<semaphore_mem>> -> memref<1x!tpu.dma_semaphore, #tpu.memory_space<semaphore_mem>>
      %dma_start3A_146 = tpu.memref_squeeze %dma_start3A_145 : memref<1x!tpu.dma_semaphore, #tpu.memory_space<semaphore_mem>> -> memref<!tpu.dma_semaphore, #tpu.memory_space<semaphore_mem>>
      tpu.enqueue_indirect_dma source(%dma_start3A_144 : memref<2600000xf32, #tpu.memory_space<hbm>>) target(%dma_start3A_141 : memref<128xf32, #tpu.memory_space<vmem>>) offsets(%dma_start3A_142 : memref<128xi32, #tpu.memory_space<vmem>>) semaphore(%dma_start3A_146 : memref<!tpu.dma_semaphore, #tpu.memory_space<semaphore_mem>>)
    }
    %scan3A_7 = arith.constant 104 : i32
    %scan3A_8 = arith.constant 0 : i32
    %scan3A_9 = arith.constant 0 : i32
    %scan3A_10 = arith.constant 8 : i32
    %scan3A_11 = arith.addi %scan3A_9, %scan3A_10 : i32
    %scan3A_12 = arith.constant 1 : i32
    scf.for %scan3A_17 = %scan3A_9 to %scan3A_11 step %scan3A_12  : i32 {
      %scan3A_18 = arith.constant 0 : i32
      %scan3A_19 = arith.constant 0 : i32
      %scan3A_20 = arith.constant 13 : i32
      %scan3A_21 = arith.addi %scan3A_19, %scan3A_20 : i32
      %scan3A_22 = arith.constant 1 : i32
      scf.for %scan3A_30 = %scan3A_19 to %scan3A_21 step %scan3A_22  : i32 {
        %mul3A_31 = arith.constant 13 : i32
        %mul3A_32 = arith.muli %scan3A_17, %mul3A_31 : i32
        %add3A_33 = arith.addi %mul3A_32, %scan3A_30 : i32
        %mul3A_34 = arith.constant 128 : i32
        %mul3A_35 = arith.muli %add3A_33, %mul3A_34 : i32
        %multiple_of3A_36 = tpu.assume_multiple %mul3A_35, 128 : i32
        %dma_wait3A = tpu.memref_slice %arg6[%multiple_of3A_36] : memref<13312xf32, #tpu.memory_space<vmem>> -> memref<128xf32, #tpu.memory_space<vmem>>
        %dma_wait3A_37 = tpu.memref_slice %arg5[%multiple_of3A_36] : memref<13312xi32, #tpu.memory_space<vmem>> -> memref<128xi32, #tpu.memory_space<vmem>>
        %dma_wait3A_38 = arith.constant 0 : i32
        %dma_wait3A_39 = tpu.memref_slice %arg3[%dma_wait3A_38] : memref<2600000xf32, #tpu.memory_space<hbm>> -> memref<2600000xf32, #tpu.memory_space<hbm>>
        %dma_wait3A_40 = tpu.memref_slice %arg8[%scan3A_17] : memref<8x!tpu.dma_semaphore, #tpu.memory_space<semaphore_mem>> -> memref<1x!tpu.dma_semaphore, #tpu.memory_space<semaphore_mem>>
        %dma_wait3A_41 = tpu.memref_squeeze %dma_wait3A_40 : memref<1x!tpu.dma_semaphore, #tpu.memory_space<semaphore_mem>> -> memref<!tpu.dma_semaphore, #tpu.memory_space<semaphore_mem>>
        tpu.wait_indirect_dma semaphore(%dma_wait3A_41 : memref<!tpu.dma_semaphore, #tpu.memory_space<semaphore_mem>>) src(%dma_wait3A_39 : memref<2600000xf32, #tpu.memory_space<hbm>>) dst(%dma_wait3A : memref<128xf32, #tpu.memory_space<vmem>>)
      }
      %scan3A_23 = arith.constant 13 : i32
      %scan3A_24 = arith.constant 0 : i32
      %scan3A_25 = arith.constant 0 : i32
      %scan3A_26 = arith.constant 4 : i32
      %scan3A_27 = arith.addi %scan3A_25, %scan3A_26 : i32
      %scan3A_28 = arith.constant 1 : i32
      scf.for %scan3A_30 = %scan3A_25 to %scan3A_27 step %scan3A_28  : i32 {
        %mul3A_31 = arith.constant 4 : i32
        %mul3A_32 = arith.muli %scan3A_17, %mul3A_31 : i32
        %add3A_33 = arith.addi %mul3A_32, %scan3A_30 : i32
        %mul3A_34 = arith.constant 416 : i32
        %mul3A_35 = arith.muli %add3A_33, %mul3A_34 : i32
        %broadcast_in_dim3A = arith.constant 0.000000e+00 : f32
        %broadcast_in_dim3A_36 = vector.broadcast %broadcast_in_dim3A : f32 to vector<16xf32>
        %add3A_37 = arith.constant 0 : i32
        %add3A_38 = arith.addi %mul3A_35, %add3A_37 : i32
        %multiple_of3A_39 = tpu.assume_multiple %add3A_38, 16 : i32
        %get3A = arith.index_cast %multiple_of3A_39 : i32 to index
        %get3A_40 = tpu.vector_load %arg6[%get3A] {strides = array<i32>} : memref<13312xf32, #tpu.memory_space<vmem>>, vector<16xf32>,
        %add3A_41 = arith.addf %broadcast_in_dim3A_36, %get3A_40 : vector<16xf32>
        %add3A_42 = arith.constant 16 : i32
        %add3A_43 = arith.addi %mul3A_35, %add3A_42 : i32
        %multiple_of3A_44 = tpu.assume_multiple %add3A_43, 16 : i32
        %get3A_45 = arith.index_cast %multiple_of3A_44 : i32 to index
        %get3A_46 = tpu.vector_load %arg6[%get3A_45] {strides = array<i32>} : memref<13312xf32, #tpu.memory_space<vmem>>, vector<16xf32>,
        %add3A_47 = arith.addf %add3A_41, %get3A_46 : vector<16xf32>
        %add3A_48 = arith.constant 32 : i32
        %add3A_49 = arith.addi %mul3A_35, %add3A_48 : i32
        %multiple_of3A_50 = tpu.assume_multiple %add3A_49, 16 : i32
        %get3A_51 = arith.index_cast %multiple_of3A_50 : i32 to index
        %get3A_52 = tpu.vector_load %arg6[%get3A_51] {strides = array<i32>} : memref<13312xf32, #tpu.memory_space<vmem>>, vector<16xf32>,
        %add3A_53 = arith.addf %add3A_47, %get3A_52 : vector<16xf32>
        %add3A_54 = arith.constant 48 : i32
        %add3A_55 = arith.addi %mul3A_35, %add3A_54 : i32
        %multiple_of3A_56 = tpu.assume_multiple %add3A_55, 16 : i32
        %get3A_57 = arith.index_cast %multiple_of3A_56 : i32 to index
        %get3A_58 = tpu.vector_load %arg6[%get3A_57] {strides = array<i32>} : memref<13312xf32, #tpu.memory_space<vmem>>, vector<16xf32>,
        %add3A_59 = arith.addf %add3A_53, %get3A_58 : vector<16xf32>
        %add3A_60 = arith.constant 64 : i32
        %add3A_61 = arith.addi %mul3A_35, %add3A_60 : i32
        %multiple_of3A_62 = tpu.assume_multiple %add3A_61, 16 : i32
        %get3A_63 = arith.index_cast %multiple_of3A_62 : i32 to index
        %get3A_64 = tpu.vector_load %arg6[%get3A_63] {strides = array<i32>} : memref<13312xf32, #tpu.memory_space<vmem>>, vector<16xf32>,
        %add3A_65 = arith.addf %add3A_59, %get3A_64 : vector<16xf32>
        %add3A_66 = arith.constant 80 : i32
        %add3A_67 = arith.addi %mul3A_35, %add3A_66 : i32
        %multiple_of3A_68 = tpu.assume_multiple %add3A_67, 16 : i32
        %get3A_69 = arith.index_cast %multiple_of3A_68 : i32 to index
        %get3A_70 = tpu.vector_load %arg6[%get3A_69] {strides = array<i32>} : memref<13312xf32, #tpu.memory_space<vmem>>, vector<16xf32>,
        %add3A_71 = arith.addf %add3A_65, %get3A_70 : vector<16xf32>
        %add3A_72 = arith.constant 96 : i32
        %add3A_73 = arith.addi %mul3A_35, %add3A_72 : i32
        %multiple_of3A_74 = tpu.assume_multiple %add3A_73, 16 : i32
        %get3A_75 = arith.index_cast %multiple_of3A_74 : i32 to index
        %get3A_76 = tpu.vector_load %arg6[%get3A_75] {strides = array<i32>} : memref<13312xf32, #tpu.memory_space<vmem>>, vector<16xf32>,
        %add3A_77 = arith.addf %add3A_71, %get3A_76 : vector<16xf32>
        %add3A_78 = arith.constant 112 : i32
        %add3A_79 = arith.addi %mul3A_35, %add3A_78 : i32
        %multiple_of3A_80 = tpu.assume_multiple %add3A_79, 16 : i32
        %get3A_81 = arith.index_cast %multiple_of3A_80 : i32 to index
        %get3A_82 = tpu.vector_load %arg6[%get3A_81] {strides = array<i32>} : memref<13312xf32, #tpu.memory_space<vmem>>, vector<16xf32>,
        %add3A_83 = arith.addf %add3A_77, %get3A_82 : vector<16xf32>
        %add3A_84 = arith.constant 128 : i32
        %add3A_85 = arith.addi %mul3A_35, %add3A_84 : i32
        %multiple_of3A_86 = tpu.assume_multiple %add3A_85, 16 : i32
        %get3A_87 = arith.index_cast %multiple_of3A_86 : i32 to index
        %get3A_88 = tpu.vector_load %arg6[%get3A_87] {strides = array<i32>} : memref<13312xf32, #tpu.memory_space<vmem>>, vector<16xf32>,
        %add3A_89 = arith.addf %add3A_83, %get3A_88 : vector<16xf32>
        %add3A_90 = arith.constant 144 : i32
        %add3A_91 = arith.addi %mul3A_35, %add3A_90 : i32
        %multiple_of3A_92 = tpu.assume_multiple %add3A_91, 16 : i32
        %get3A_93 = arith.index_cast %multiple_of3A_92 : i32 to index
        %get3A_94 = tpu.vector_load %arg6[%get3A_93] {strides = array<i32>} : memref<13312xf32, #tpu.memory_space<vmem>>, vector<16xf32>,
        %add3A_95 = arith.addf %add3A_89, %get3A_94 : vector<16xf32>
        %add3A_96 = arith.constant 160 : i32
        %add3A_97 = arith.addi %mul3A_35, %add3A_96 : i32
        %multiple_of3A_98 = tpu.assume_multiple %add3A_97, 16 : i32
        %get3A_99 = arith.index_cast %multiple_of3A_98 : i32 to index
        %get3A_100 = tpu.vector_load %arg6[%get3A_99] {strides = array<i32>} : memref<13312xf32, #tpu.memory_space<vmem>>, vector<16xf32>,
        %add3A_101 = arith.addf %add3A_95, %get3A_100 : vector<16xf32>
        %add3A_102 = arith.constant 176 : i32
        %add3A_103 = arith.addi %mul3A_35, %add3A_102 : i32
        %multiple_of3A_104 = tpu.assume_multiple %add3A_103, 16 : i32
        %get3A_105 = arith.index_cast %multiple_of3A_104 : i32 to index
        %get3A_106 = tpu.vector_load %arg6[%get3A_105] {strides = array<i32>} : memref<13312xf32, #tpu.memory_space<vmem>>, vector<16xf32>,
        %add3A_107 = arith.addf %add3A_101, %get3A_106 : vector<16xf32>
        %add3A_108 = arith.constant 192 : i32
        %add3A_109 = arith.addi %mul3A_35, %add3A_108 : i32
        %multiple_of3A_110 = tpu.assume_multiple %add3A_109, 16 : i32
        %get3A_111 = arith.index_cast %multiple_of3A_110 : i32 to index
        %get3A_112 = tpu.vector_load %arg6[%get3A_111] {strides = array<i32>} : memref<13312xf32, #tpu.memory_space<vmem>>, vector<16xf32>,
        %add3A_113 = arith.addf %add3A_107, %get3A_112 : vector<16xf32>
        %add3A_114 = arith.constant 208 : i32
        %add3A_115 = arith.addi %mul3A_35, %add3A_114 : i32
        %multiple_of3A_116 = tpu.assume_multiple %add3A_115, 16 : i32
        %get3A_117 = arith.index_cast %multiple_of3A_116 : i32 to index
        %get3A_118 = tpu.vector_load %arg6[%get3A_117] {strides = array<i32>} : memref<13312xf32, #tpu.memory_space<vmem>>, vector<16xf32>,
        %add3A_119 = arith.addf %add3A_113, %get3A_118 : vector<16xf32>
        %add3A_120 = arith.constant 224 : i32
        %add3A_121 = arith.addi %mul3A_35, %add3A_120 : i32
        %multiple_of3A_122 = tpu.assume_multiple %add3A_121, 16 : i32
        %get3A_123 = arith.index_cast %multiple_of3A_122 : i32 to index
        %get3A_124 = tpu.vector_load %arg6[%get3A_123] {strides = array<i32>} : memref<13312xf32, #tpu.memory_space<vmem>>, vector<16xf32>,
        %add3A_125 = arith.addf %add3A_119, %get3A_124 : vector<16xf32>
        %add3A_126 = arith.constant 240 : i32
        %add3A_127 = arith.addi %mul3A_35, %add3A_126 : i32
        %multiple_of3A_128 = tpu.assume_multiple %add3A_127, 16 : i32
        %get3A_129 = arith.index_cast %multiple_of3A_128 : i32 to index
        %get3A_130 = tpu.vector_load %arg6[%get3A_129] {strides = array<i32>} : memref<13312xf32, #tpu.memory_space<vmem>>, vector<16xf32>,
        %add3A_131 = arith.addf %add3A_125, %get3A_130 : vector<16xf32>
        %add3A_132 = arith.constant 256 : i32
        %add3A_133 = arith.addi %mul3A_35, %add3A_132 : i32
        %multiple_of3A_134 = tpu.assume_multiple %add3A_133, 16 : i32
        %get3A_135 = arith.index_cast %multiple_of3A_134 : i32 to index
        %get3A_136 = tpu.vector_load %arg6[%get3A_135] {strides = array<i32>} : memref<13312xf32, #tpu.memory_space<vmem>>, vector<16xf32>,
        %add3A_137 = arith.addf %add3A_131, %get3A_136 : vector<16xf32>
        %add3A_138 = arith.constant 272 : i32
        %add3A_139 = arith.addi %mul3A_35, %add3A_138 : i32
        %multiple_of3A_140 = tpu.assume_multiple %add3A_139, 16 : i32
        %get3A_141 = arith.index_cast %multiple_of3A_140 : i32 to index
        %get3A_142 = tpu.vector_load %arg6[%get3A_141] {strides = array<i32>} : memref<13312xf32, #tpu.memory_space<vmem>>, vector<16xf32>,
        %add3A_143 = arith.addf %add3A_137, %get3A_142 : vector<16xf32>
        %add3A_144 = arith.constant 288 : i32
        %add3A_145 = arith.addi %mul3A_35, %add3A_144 : i32
        %multiple_of3A_146 = tpu.assume_multiple %add3A_145, 16 : i32
        %get3A_147 = arith.index_cast %multiple_of3A_146 : i32 to index
        %get3A_148 = tpu.vector_load %arg6[%get3A_147] {strides = array<i32>} : memref<13312xf32, #tpu.memory_space<vmem>>, vector<16xf32>,
        %add3A_149 = arith.addf %add3A_143, %get3A_148 : vector<16xf32>
        %add3A_150 = arith.constant 304 : i32
        %add3A_151 = arith.addi %mul3A_35, %add3A_150 : i32
        %multiple_of3A_152 = tpu.assume_multiple %add3A_151, 16 : i32
        %get3A_153 = arith.index_cast %multiple_of3A_152 : i32 to index
        %get3A_154 = tpu.vector_load %arg6[%get3A_153] {strides = array<i32>} : memref<13312xf32, #tpu.memory_space<vmem>>, vector<16xf32>,
        %add3A_155 = arith.addf %add3A_149, %get3A_154 : vector<16xf32>
        %add3A_156 = arith.constant 320 : i32
        %add3A_157 = arith.addi %mul3A_35, %add3A_156 : i32
        %multiple_of3A_158 = tpu.assume_multiple %add3A_157, 16 : i32
        %get3A_159 = arith.index_cast %multiple_of3A_158 : i32 to index
        %get3A_160 = tpu.vector_load %arg6[%get3A_159] {strides = array<i32>} : memref<13312xf32, #tpu.memory_space<vmem>>, vector<16xf32>,
        %add3A_161 = arith.addf %add3A_155, %get3A_160 : vector<16xf32>
        %add3A_162 = arith.constant 336 : i32
        %add3A_163 = arith.addi %mul3A_35, %add3A_162 : i32
        %multiple_of3A_164 = tpu.assume_multiple %add3A_163, 16 : i32
        %get3A_165 = arith.index_cast %multiple_of3A_164 : i32 to index
        %get3A_166 = tpu.vector_load %arg6[%get3A_165] {strides = array<i32>} : memref<13312xf32, #tpu.memory_space<vmem>>, vector<16xf32>,
        %add3A_167 = arith.addf %add3A_161, %get3A_166 : vector<16xf32>
        %add3A_168 = arith.constant 352 : i32
        %add3A_169 = arith.addi %mul3A_35, %add3A_168 : i32
        %multiple_of3A_170 = tpu.assume_multiple %add3A_169, 16 : i32
        %get3A_171 = arith.index_cast %multiple_of3A_170 : i32 to index
        %get3A_172 = tpu.vector_load %arg6[%get3A_171] {strides = array<i32>} : memref<13312xf32, #tpu.memory_space<vmem>>, vector<16xf32>,
        %add3A_173 = arith.addf %add3A_167, %get3A_172 : vector<16xf32>
        %add3A_174 = arith.constant 368 : i32
        %add3A_175 = arith.addi %mul3A_35, %add3A_174 : i32
        %multiple_of3A_176 = tpu.assume_multiple %add3A_175, 16 : i32
        %get3A_177 = arith.index_cast %multiple_of3A_176 : i32 to index
        %get3A_178 = tpu.vector_load %arg6[%get3A_177] {strides = array<i32>} : memref<13312xf32, #tpu.memory_space<vmem>>, vector<16xf32>,
        %add3A_179 = arith.addf %add3A_173, %get3A_178 : vector<16xf32>
        %add3A_180 = arith.constant 384 : i32
        %add3A_181 = arith.addi %mul3A_35, %add3A_180 : i32
        %multiple_of3A_182 = tpu.assume_multiple %add3A_181, 16 : i32
        %get3A_183 = arith.index_cast %multiple_of3A_182 : i32 to index
        %get3A_184 = tpu.vector_load %arg6[%get3A_183] {strides = array<i32>} : memref<13312xf32, #tpu.memory_space<vmem>>, vector<16xf32>,
        %add3A_185 = arith.addf %add3A_179, %get3A_184 : vector<16xf32>
        %add3A_186 = arith.constant 400 : i32
        %add3A_187 = arith.addi %mul3A_35, %add3A_186 : i32
        %multiple_of3A_188 = tpu.assume_multiple %add3A_187, 16 : i32
        %get3A_189 = arith.index_cast %multiple_of3A_188 : i32 to index
        %get3A_190 = tpu.vector_load %arg6[%get3A_189] {strides = array<i32>} : memref<13312xf32, #tpu.memory_space<vmem>>, vector<16xf32>,
        %add3A_191 = arith.addf %add3A_185, %get3A_190 : vector<16xf32>
        %mul3A_192 = arith.constant 4 : i32
        %mul3A_193 = arith.muli %scan3A_17, %mul3A_192 : i32
        %add3A_194 = arith.addi %mul3A_193, %scan3A_30 : i32
        %mul3A_195 = arith.constant 16 : i32
        %mul3A_196 = arith.muli %add3A_194, %mul3A_195 : i32
        %multiple_of3A_197 = tpu.assume_multiple %mul3A_196, 16 : i32
        %swap3A = arith.index_cast %multiple_of3A_197 : i32 to index
        %swap3A_198 = tpu.vector_load %arg7[%swap3A] {strides = array<i32>} : memref<512xf32, #tpu.memory_space<vmem>>, vector<16xf32>,
        tpu.vector_store %arg7[%swap3A], %add3A_191 {strides = array<i32>} : memref<512xf32, #tpu.memory_space<vmem>>, vector<16xf32>,
      }
      %scan3A_29 = arith.constant 4 : i32
    }
    %scan3A_13 = arith.constant 8 : i32
    %mul3A_14 = arith.constant 512 : i32
    %mul3A_15 = arith.muli %add3A, %mul3A_14 : i32
    %multiple_of3A_16 = tpu.assume_multiple %mul3A_15, 512 : i32
    "tpu.region"() ({
      %run_scoped3A = tpu.sem_alloc : memref<!tpu.dma_semaphore, #tpu.memory_space<semaphore_mem>>
      %dma_start3A = tpu.memref_slice %arg4[%multiple_of3A_16] : memref<16384xf32, #tpu.memory_space<hbm>> -> memref<512xf32, #tpu.memory_space<hbm>>
      %dma_start3A_17 = tpu.memref_slice %arg4[%multiple_of3A_16] : memref<16384xf32, #tpu.memory_space<hbm>> -> memref<512xf32, #tpu.memory_space<hbm>>
      tpu.enqueue_dma source(%arg7 : memref<512xf32, #tpu.memory_space<vmem>>) target(%dma_start3A_17 : memref<512xf32, #tpu.memory_space<hbm>>) target_semaphore(%run_scoped3A : memref<!tpu.dma_semaphore, #tpu.memory_space<semaphore_mem>>)
      %dma_wait3A = tpu.memref_slice %arg4[%multiple_of3A_16] : memref<16384xf32, #tpu.memory_space<hbm>> -> memref<512xf32, #tpu.memory_space<hbm>>
      %dma_wait3A_18 = tpu.memref_slice %arg4[%multiple_of3A_16] : memref<16384xf32, #tpu.memory_space<hbm>> -> memref<512xf32, #tpu.memory_space<hbm>>
      tpu.wait_dma2 semaphore(%run_scoped3A : memref<!tpu.dma_semaphore, #tpu.memory_space<semaphore_mem>>) src(%arg7 : memref<512xf32, #tpu.memory_space<vmem>>) dst(%dma_wait3A_18 : memref<512xf32, #tpu.memory_space<hbm>>)
      tpu.yield
    }) : () -> ()
    return
  }
}

</mosaic_0001>

<sc_bundles>
// kernel: kernel.4.cloned.1.call-start
scs
__scs_entry_jumppad:
0x0: {  	(pc) =	sbr.rel $0x88, $3  }
0x1: {  	(tag) =	ssettag $0x0;
	lr =	simm.s32 $0x1  }
0x2: {  	[smem:$0x3F9F] =	sst lr;
	_ =	strace $0xD0000000  }
0x3: {  	_ = 	snop  }
0x4: {  	_ = 	snop  }
0x5: {  	_ = 	snop  }
0x6: {  	_ = 	snop  }
0x7: {  	_ = 	snop  }
__scs_overlays_trampoline_lowered:
0x8: {  	[smem:$0x3FAE] =	sst s0  }
0x9: {  	[smem:$0x3FAF] =	sst s1  }
0xa: {  	[smem:$0x3FB0] =	sst s2  }
0xb: {  	[smem:$0x3FB1] =	sst s3  }
0xc: {  	[smem:$0x3FB2] =	sst s4  }
0xd: {  	[smem:$0x3FB3] =	sst s5  }
0xe: {  	[smem:$0x3FB4] =	sst s6  }
0xf: {  	[smem:$0x3FB5] =	sst s7  }
0x10: {  	[smem:$0x3FB6] =	sst s8  }
0x11: {  	[smem:$0x3FB7] =	sst s9;
	s0 =	simm.s32 @!p0 $0x0  }
0x12: {  	s1 =	sld [smem:$0x3F9D];
	s0 =	simm.s32 @p0 $0x1  }
0x13: {  	[smem:$0x3FB8] =	sst s0;
	s0 =	simm.s32 @!p1 $0x0  }
0x14: {  	s2 =	sld [smem:$0x3F9C];
	s0 =	simm.s32 @p1 $0x1  }
0x15: {  	[smem:$0x3FB9] =	sst s0;
	s0 =	simm.s32 @!p2 $0x0  }
0x16: {  	s3 =	sld [smem:$0x3FDB];
	s0 =	simm.s32 @p2 $0x1  }
0x17: {  	s4 =	simm.s32 $0x1BF5;
	[smem:$0x3FBB] =	sst s0  }
0x18: {  	s0 =	sld [smem:$0x3F9E];
	_ =	swait.ge [sflag:s4], $0x0  }
0x19: {  	s7 =	sld [smem:$0x3F9F]  }
0x1a: {  	s8 =	sadd.s32 $0xFFFFE003, lr  }
0x1b: {  	s9 =	sadd.s32 $0xFFFFFEF7, lr;
	s5 =	simm.s32 $0xFFFFFFFF;
	p2 =	slt.u32 s8, $0xFFFFF086  }
0x1c: {  	p1 =	slt.u32 s9, $0xF7A;
	s5 =	simm.s32 @!p2 $0x0  }
0x1d: {  	s5 =	simm.s32 @p1 $0x1;
	p0 =	seq.s32 s7, s2  }
0x1e: {  	s7 =	smul.u32 @!p0 $0xF7A, s2;
	p2 =	seq.s32 @!p0 s5, $0x0  }
0x1f: {  	s9 =	smul.u32 $0xF7A, s1;
	s8 =	simm.s32 @!p0 $0x1BF5;
	p2 =	por !p2, p0  }
0x20: {  	[sflag:s8] =	ssyncset.s32 @!p0 $0xFFFFF086;
	s6 =	sadd.s32 @!p0 s3, s7;
	s7 =	simm.s32 @!p0 $0x108  }
0x21: {  	s3 =	sadd.s32 s3, s9;
	s6 =	sadd.s32 @!p0 $0x88, s6;
	s7 =	simm.s32 @p2 $0x1082  }
0x22: {  	[simem:s7], [sflag:s8] =	dma.local @!p0 [hbm:s6], $0xF7A  }
0x23: {  	s9 =	sor.u32 $0xD0000000, s2;
	s6 =	simm.s32 $0x108;
	_ =	swait.ge @!p0 [sflag:s8], $0x0  }
0x24: {  	s3 =	sadd.s32 $0x88, s3;
	s6 =	simm.s32 @!p1 $0x1082;
	[sflag:s4] =	ssyncset.s32 $0xFFFFF086  }
0x25: {  	[simem:s6], [sflag:s4] =	dma.local [hbm:s3], $0xF7A  }
0x26: {  	[smem:$0x3F9F] =	sst s1;
	(tag) =	ssettag s2;
	_ =	strace s9  }
0x27: {  	s1 =	sld [smem:$0x3FAF]  }
0x28: {  	s2 =	sld [smem:$0x3FB0]  }
0x29: {  	s4 =	sld [smem:$0x3FB2]  }
0x2a: {  	p0 =	seq.s32 s5, $0x0;
	s5 =	sld [smem:$0x3FB3]  }
0x2b: {  	s6 =	sld [smem:$0x3FB4]  }
0x2c: {  	s7 =	sld [smem:$0x3FB5]  }
0x2d: {  	s3 =	simm.s32 $0x108;
	s8 =	sld [smem:$0x3FB6]  }
0x2e: {  	s3 =	simm.s32 @!p0 $0x1082;
	s9 =	sld [smem:$0x3FB7]  }
0x2f: {  	lr =	sadd.s32 s0, s3;
	s0 =	sld [smem:$0x3FAE]  }
0x30: {  	s3 =	sld [smem:$0x3FB1]  }
0x31: {  	[smem:$0x3FBA] =	sst s10  }
0x32: {  	s10 =	sld [smem:$0x3FB8];
	_ =	sdelay $0x3  }
0x33: {  	p0 =	seq.s32 s10, $0x1;
	s10 =	sld [smem:$0x3FBA];
	_ =	sdelay $0x3  }
0x34: {  	[smem:$0x3FBA] =	sst s10  }
0x35: {  	s10 =	sld [smem:$0x3FB9];
	_ =	sdelay $0x3  }
0x36: {  	p1 =	seq.s32 s10, $0x1;
	s10 =	sld [smem:$0x3FBA];
	_ =	sdelay $0x3  }
0x37: {  	[smem:$0x3FBA] =	sst s10  }
0x38: {  	s10 =	sld [smem:$0x3FBB]  }
0x39: {  	_ = 	snop;
	(pc) =	sbr.ind lr, $3  }
0x3a: {  	_ = 	snop  }
0x3b: {  	_ = 	snop  }
0x3c: {  	p2 =	seq.s32 s10, $0x1;
	s10 =	sld [smem:$0x3FBA]  }
0x3d: {  	_ =	shalt  }
0x3e: {  	_ =	shalt  }
0x3f: {  	_ =	shalt  }
0x40: {  	_ =	shalt  }
0x41: {  	_ =	shalt  }
0x42: {  	_ =	shalt  }
0x43: {  	_ =	shalt  }
0x44: {  	_ =	shalt  }
0x45: {  	_ =	shalt  }
0x46: {  	_ =	shalt  }
0x47: {  	_ =	shalt  }
0x48: {  	_ =	shalt  }
0x49: {  	_ =	shalt  }
0x4a: {  	_ =	shalt  }
0x4b: {  	_ =	shalt  }
0x4c: {  	_ =	shalt  }
0x4d: {  	_ =	shalt  }
0x4e: {  	_ =	shalt  }
0x4f: {  	_ =	shalt  }
0x50: {  	_ =	shalt  }
0x51: {  	_ =	shalt  }
0x52: {  	_ =	shalt  }
0x53: {  	_ =	shalt  }
0x54: {  	_ =	shalt  }
0x55: {  	_ =	shalt  }
0x56: {  	_ =	shalt  }
0x57: {  	_ =	shalt  }
0x58: {  	_ =	shalt  }
0x59: {  	_ =	shalt  }
0x5a: {  	_ =	shalt  }
0x5b: {  	_ =	shalt  }
0x5c: {  	_ =	shalt  }
0x5d: {  	_ =	shalt  }
0x5e: {  	_ =	shalt  }
0x5f: {  	_ =	shalt  }
0x60: {  	_ =	shalt  }
0x61: {  	_ =	shalt  }
0x62: {  	_ =	shalt  }
0x63: {  	_ =	shalt  }
0x64: {  	_ =	shalt  }
0x65: {  	_ =	shalt  }
0x66: {  	_ =	shalt  }
0x67: {  	_ =	shalt  }
0x68: {  	_ =	shalt  }
0x69: {  	_ =	shalt  }
0x6a: {  	_ =	shalt  }
0x6b: {  	_ =	shalt  }
0x6c: {  	_ =	shalt  }
0x6d: {  	_ =	shalt  }
0x6e: {  	_ =	shalt  }
0x6f: {  	_ =	shalt  }
0x70: {  	_ =	shalt  }
0x71: {  	_ =	shalt  }
0x72: {  	_ =	shalt  }
0x73: {  	_ =	shalt  }
0x74: {  	_ =	shalt  }
0x75: {  	_ =	shalt  }
0x76: {  	_ =	shalt  }
0x77: {  	_ =	shalt  }
0x78: {  	_ =	shalt  }
0x79: {  	_ =	shalt  }
0x7a: {  	_ =	shalt  }
0x7b: {  	_ =	shalt  }
0x7c: {  	_ =	shalt  }
0x7d: {  	_ =	shalt  }
0x7e: {  	_ =	shalt  }
0x7f: {  	_ =	shalt  }
0x80: {  	_ =	shalt  }
0x81: {  	_ =	shalt  }
0x82: {  	_ =	shalt  }
0x83: {  	_ =	shalt  }
0x84: {  	_ =	shalt  }
0x85: {  	_ =	shalt  }
0x86: {  	_ =	shalt  }
0x87: {  	_ =	shalt  }
.Lfunc_end0:
.L_simem_size_0:
called_computation_lowered:
.L_overlay_start_0:
0x88: {  	s2 =	sld [smem:$0x3FD9]  }
0x89: {  	s3 =	sld [smem:$0x3FFE];
	_ =	sdelay $0x1  }
0x8a: {  	s1 =	srdreg.scid  }
0x8b: {  	s0 =	sand.u32 $0x1, s1  }
0x8c: {  	s17 =	sshll.u32 s0, $0xA;
	s2 =	sadd.s32 s3, s2  }
0x8d: {  	s2 =	sadd.s32 s2, s17  }
0x8e: {  	[smem:$0x3FC6] =	sst s2  }
0x8f: {  	_ = 	snop  }
0x90: {  	s2 =	sld [smem:$0x3FC9];
	(tm) =	ssettm $0x1  }
0x91: {  	s18 =	sld [smem:$0x3FFB];
	_ =	sdelay $0x3  }
0x92: {  	_ =	strace s18  }
0x93: {  	s3 =	sld [smem:$0x3FFC];
	_ =	sdelay $0x3  }
0x94: {  	_ =	strace s3  }
0x95: {  	s3 =	sld [smem:$0x3FFD];
	_ =	sdelay $0x3  }
0x96: {  	_ =	strace s3  }
0x97: {  	_ =	strace $0x8FFFFFFF  }
0x98: {  	s19 =	sld [smem:$0x3FDB];
	_ =	sdelay $0x1  }
0x99: {  	s4 =	simm.s32 $_scs_section_size  }
0x9a: {  	s5 =	simm.s32 $_size__tile_overlayer_lowered;
	s6 =	simm.s32 $_tile_overlayer_lowered  }
0x9b: {  	s22 =	simm.s32 $0x1BFF;
	s21 =	sshll.u32 s6, $0x1;
	s3 =	sadd.s32 s4, s19  }
0x9c: {  	s7 =	simm.s32 $0x0;
	s20 =	sshll.u32 s5, $0x1;
	s5 =	sadd.s32 s21, s3  }
0x9d: {  	[timem:s7], [sflag:s22] =	dma.local [hbm:s5], s20  }
0x9e: {  	_ =	swait.ge [sflag:s22], s20  }
0x9f: {  	s4 =	ssub.s32 $0x0, s20;
	[sflag:s22] =	ssyncset.done $0x0  }
0xa0: {  	[sflag:s22] =	ssyncadd.s32 s4;
	_ =	sdelay $0x1  }
0xa1: {  	s23 =	simm.s32 $0x1B8B  }
0xa2: {  	_ =	swait.ge [sflag:s23], $0x1  }
0xa3: {  	[sflag:s23] =	ssyncset.done $0x0  }
0xa4: {  	s25 =	simm.s32 $0x1B8E;
	s24 =	sld [smem:$0x3FFE];
	[sflag:s23] =	ssyncadd.s32 $0xFFFFFFFF  }
0xa5: {  	s26 =	simm.s32 $execute0_lowered;
	[smem:$0x3FD2] =	sst s25  }
0xa6: {  	s5 =	sshll.u32 s26, $0x1;
	_ =	strace $0x80000046;
	[dreg:$0x1] =	wrdreg $0xFFFFFFFF  }
0xa7: {  	s28 =	simm.s32 $_size_execute0_lowered;
	s3 =	sadd.s32 s3, s5;
	[dreg:$0x0] =	wrdreg $0x0  }
0xa8: {  	s5 =	sshll.u32 s28, $0x1;
	[dreg:$0x2] =	wrdreg s3  }
0xa9: {  	[dreg:$0x3] =	wrdreg s5  }
0xaa: {  	[dreg:$0x4] =	wrdreg $0xC0  }
0xab: {  	_ =	task [dreg:s7], $0x5FFFF  }
0xac: {  	[dreg:$0x1] =	wrdreg $0xFFFFFFFF  }
0xad: {  	[dreg:$0x0] =	wrdreg $0x60  }
0xae: {  	[dreg:$0x2] =	wrdreg s2  }
0xaf: {  	[dreg:$0x3] =	wrdreg s24  }
0xb0: {  	[dreg:$0x4] =	wrdreg $0x9  }
0xb1: {  	_ =	task.clear_ibuf [dreg:s7], $0x5FFFF;
	_ =	strace $0x90000046  }
0xb2: {  	s29 =	simm.s32 $0x9;
	_ =	strace $0x80000048  }
0xb3: {  	_ =	swait.ge [sflag:s29], $0x1  }
0xb4: {  	[sflag:s29] =	ssyncadd.s32 $0xFFFFFFFF  }
0xb5: {  	_ =	strace $0x90000048  }
0xb6: {  	_ =	sfence  }
0xb7: {  	s30 =	sld [smem:$0x0];
	_ =	sdelay $0x2  }
0xb8: {  	s31 =	sshll.u32 s1, $0xD;
	s1 =	sshrl.u32 s1, $0x2  }
0xb9: {  	s3 =	sand.u32 $0x4000, s31;
	s1 =	sadd.s32 s1, s30  }
0xba: {  	s0 =	sor.u32 s3, s0;
	s1 =	sshll.u32 s1, $0x11  }
0xbb: {  	s0 =	sor.u32 s1, s0  }
0xbc: {  	s0 =	sadd.s32 $0x8F2B, s0  }
0xbd: {  	[sflag:s0] =	ssyncadd.remote.s32 $0x1  }
0xbe: {  	_ =	sfence.sel $0xFFFF  }
0xbf: {  	[dreg:$0x0] =	wrdreg $0xFFFFFFFF;
	(pc) =	sbr.abs _section_cstart, $3  }
0xc0: {  	[dreg:$0x1] =	wrdreg $0xFFFFFFFF  }
0xc1: {  	_ =	task.clear_ibuf [dreg:s7], $0x2FFFF;
	_ =	strace $0x9FFFFFFF  }
0xc2: {  	(tm) =	ssettm $0x7FFFFFFF  }
0xc3: {  	_ =	shalt  }
tec
execute0_lowered:
.L_overlay_start_1:
0x0: {  	(tag) =	ssettag $0x1  }
0x1: {  	s3 =	rddreg [dreg:$0x0];
	s1 =	srdreg.scid  }
0x2: {  	s0 =	stileid.u32;
	s4 =	rddreg [dreg:$0x1]  }
0x3: {  	s2 =	simm.s32 $0x0;
	s8 =	simm.s32 $0x1;
	s9 =	simm.s32 $0x4000  }
0x4: {  	s10 =	simm.s32 $0x0;
	s5 =	sand.u32 $0x1, s1;
	s6 =	sshll.u32 s0, $0x1  }
0x5: {  	s1 =	rddreg [dreg:$0x2];
	s6 =	sor.u32 s5, s6;
	s5 =	ssub.s32 $0x2, s5  }
0x6: {  	[smem:$0x7FF] =	sst s2;
	s7 =	smul.u32 $0x680, s6;
	s31 =	sshrl.u32 s5, $0x1  }
0x7: {  	_ =	strace $0x80000047;
	s6 =	sshll.u32 s6, $0x9;
	s5 =	ssub.s32 s5, s31  }
0x8: {  	s3 =	sadd.s32 s3, s6;
	s6 =	simm.s32 $0x1000;
	s4 =	sadd.s32 s7, s4  }
0x9: {  	s5 =	smax.u32 s5, $0x1;
	s7 =	simm.s32 $0x20000;
	s4 =	sadd.s32 $0x600, s4  }
.LBB2_1:
0xa: {  	[tilespmem:s2], [sflag:$0x1] =	stream.strided.gather [hbm4b:s3+s6], $0x4000, s7, s6, $0x38;
	[tilespmem:$0x7400] =	vst v63  }
0xb: {  	_ =	swait.ge [sflag:s8], $0x4000  }
0xc: {  	s11 =	sand.u32 $0x70, s2;
	s12 =	sand.u32 $0xC00, s2;
	[sflag:s8] =	ssyncset.done $0x0  }
0xd: {  	s13 =	sor.u32 s11, s12;
	[sflag:s8] =	ssyncadd.s32 $0xFFFFC000  }
0xe: {  	v0 =	vld [tilespmem:s13+$0x0];
	_ =	sdelay $0x3  }
0xf: {  	s11 =	simm.s32 $0x40D0  }
0x10: {  	[tilespmem:s11+$0xFFFFFF30] =	vst v0  }
0x11: {  	v0 =	vld [tilespmem:s13+$0x80];
	_ =	sdelay $0x4  }
0x12: {  	[tilespmem:s11+$0xFFFFFF40] =	vst v0  }
0x13: {  	v0 =	vld [tilespmem:s13+$0x100];
	_ =	sdelay $0x4  }
0x14: {  	[tilespmem:s11+$0xFFFFFF50] =	vst v0  }
0x15: {  	v0 =	vld [tilespmem:s13+$0x180];
	_ =	sdelay $0x4  }
0x16: {  	[tilespmem:s11+$0xFFFFFF60] =	vst v0  }
0x17: {  	v0 =	vld [tilespmem:s13+$0x200];
	_ =	sdelay $0x4  }
0x18: {  	[tilespmem:s11+$0xFFFFFF70] =	vst v0  }
0x19: {  	v0 =	vld [tilespmem:s13+$0x280];
	_ =	sdelay $0x4  }
0x1a: {  	[tilespmem:s11+$0xFFFFFF80] =	vst v0  }
0x1b: {  	v0 =	vld [tilespmem:s13+$0x300];
	_ =	sdelay $0x3  }
0x1c: {  	s31 =	sor.u32 s2, s2  }
0x1d: {  	s12 =	sor.u32 $0x380, s31;
	[tilespmem:s11+$0xFFFFFF90] =	vst v0  }
0x1e: {  	v0 =	vld [tilespmem:s12+$0x0];
	_ =	sdelay $0x4  }
0x1f: {  	[tilespmem:s11+$0xFFFFFFA0] =	vst v0  }
0x20: {  	v0 =	vld [tilespmem:s13+$0x1000];
	_ =	sdelay $0x3  }
0x21: {  	s14 =	sand.u32 $0x3FE0, s2  }
0x22: {  	[tilespmem:s14+$0x4080] =	vst v0  }
0x23: {  	v0 =	vld [tilespmem:s13+$0x1080];
	_ =	sdelay $0x4  }
0x24: {  	[tilespmem:s11+$0xFFFFFFC0] =	vst v0  }
0x25: {  	v0 =	vld [tilespmem:s13+$0x1100];
	_ =	sdelay $0x4  }
0x26: {  	[tilespmem:s11+$0xFFFFFFD0] =	vst v0  }
0x27: {  	v0 =	vld [tilespmem:s13+$0x1180];
	_ =	sdelay $0x4  }
0x28: {  	[tilespmem:s11+$0xFFFFFFE0] =	vst v0  }
0x29: {  	v0 =	vld [tilespmem:s13+$0x1200];
	_ =	sdelay $0x4  }
0x2a: {  	[tilespmem:s11+$0xFFFFFFF0] =	vst v0  }
0x2b: {  	v0 =	vld [tilespmem:s13+$0x1280];
	_ =	sdelay $0x4  }
0x2c: {  	[tilespmem:s11+$0x0] =	vst v0  }
0x2d: {  	v0 =	vld [tilespmem:s13+$0x1300];
	_ =	sdelay $0x4  }
0x2e: {  	[tilespmem:s11+$0x10] =	vst v0  }
0x2f: {  	v0 =	vld [tilespmem:s13+$0x1380];
	_ =	sdelay $0x4  }
0x30: {  	[tilespmem:s11+$0x20] =	vst v0  }
0x31: {  	v0 =	vld [tilespmem:s13+$0x2000];
	_ =	sdelay $0x4  }
0x32: {  	[tilespmem:s14+$0x4100] =	vst v0  }
0x33: {  	v0 =	vld [tilespmem:s13+$0x2080];
	_ =	sdelay $0x4  }
0x34: {  	[tilespmem:s11+$0x40] =	vst v0  }
0x35: {  	v0 =	vld [tilespmem:s13+$0x2100];
	_ =	sdelay $0x4  }
0x36: {  	[tilespmem:s11+$0x50] =	vst v0  }
0x37: {  	v0 =	vld [tilespmem:s13+$0x2180];
	_ =	sdelay $0x4  }
0x38: {  	[tilespmem:s11+$0x60] =	vst v0  }
0x39: {  	v0 =	vld [tilespmem:s13+$0x2200];
	_ =	sdelay $0x4  }
0x3a: {  	[tilespmem:s11+$0x70] =	vst v0  }
0x3b: {  	v0 =	vld [tilespmem:s13+$0x2280];
	_ =	sdelay $0x4  }
0x3c: {  	[tilespmem:s11+$0x80] =	vst v0  }
0x3d: {  	v0 =	vld [tilespmem:s13+$0x2300];
	_ =	sdelay $0x4  }
0x3e: {  	[tilespmem:s11+$0x90] =	vst v0  }
0x3f: {  	v0 =	vld [tilespmem:s13+$0x2380];
	_ =	sdelay $0x4  }
0x40: {  	[tilespmem:s11+$0xA0] =	vst v0  }
0x41: {  	v0 =	vld [tilespmem:s13+$0x3000];
	_ =	sdelay $0x4  }
0x42: {  	[tilespmem:s14+$0x4180] =	vst v0  }
0x43: {  	v0 =	vld [tilespmem:s13+$0x3080];
	_ =	sdelay $0x2  }
0x44: {  	s15 =	simm.s32 $0x20;
	s12 =	simm.s32 $0x10;
	s14 =	simm.s32 $0x80  }
0x45: {  	s16 =	sand.u32 $0x70, s12;
	s17 =	sand.u32 $0xC00, s14;
	s13 =	simm.s32 $0x0  }
.LBB2_2:
0x46: {  	p0 =	sne.s32 s15, $0x1F0;
	s16 =	sor.u32 s16, s17;
	[tilespmem:s11+$0xC0] =	vst v0  }
0x47: {  	v0 =	vld [tilespmem:s16+$0x0];
	_ =	sdelay $0x3  }
0x48: {  	s11 =	sadd.s32 $0x1A0, s11  }
0x49: {  	[tilespmem:s11+$0xFFFFFF30] =	vst v0  }
0x4a: {  	v0 =	vld [tilespmem:s16+$0x80];
	_ =	sdelay $0x4  }
0x4b: {  	[tilespmem:s11+$0xFFFFFF40] =	vst v0  }
0x4c: {  	v0 =	vld [tilespmem:s16+$0x100];
	_ =	sdelay $0x4  }
0x4d: {  	[tilespmem:s11+$0xFFFFFF50] =	vst v0  }
0x4e: {  	v0 =	vld [tilespmem:s16+$0x180];
	_ =	sdelay $0x4  }
0x4f: {  	[tilespmem:s11+$0xFFFFFF60] =	vst v0  }
0x50: {  	v0 =	vld [tilespmem:s16+$0x200];
	_ =	sdelay $0x4  }
0x51: {  	[tilespmem:s11+$0xFFFFFF70] =	vst v0  }
0x52: {  	v0 =	vld [tilespmem:s16+$0x280];
	_ =	sdelay $0x4  }
0x53: {  	[tilespmem:s11+$0xFFFFFF80] =	vst v0  }
0x54: {  	v0 =	vld [tilespmem:s16+$0x300];
	_ =	sdelay $0x3  }
0x55: {  	s17 =	sor.u32 s14, s12;
	s12 =	smov.u32 s15  }
0x56: {  	s17 =	sor.u32 $0x380, s17;
	[tilespmem:s11+$0xFFFFFF90] =	vst v0  }
0x57: {  	v0 =	vld [tilespmem:s17+$0x0];
	_ =	sdelay $0x4  }
0x58: {  	[tilespmem:s11+$0xFFFFFFA0] =	vst v0  }
0x59: {  	v0 =	vld [tilespmem:s16+$0x1000];
	_ =	sdelay $0x2  }
0x5a: {  	s13 =	sadd.s32 $0x1A0, s13  }
0x5b: {  	s17 =	sand.u32 $0x3FE0, s13  }
0x5c: {  	[tilespmem:s17+$0x4080] =	vst v0  }
0x5d: {  	v0 =	vld [tilespmem:s16+$0x1080];
	_ =	sdelay $0x4  }
0x5e: {  	[tilespmem:s11+$0xFFFFFFC0] =	vst v0  }
0x5f: {  	v0 =	vld [tilespmem:s16+$0x1100];
	_ =	sdelay $0x4  }
0x60: {  	[tilespmem:s11+$0xFFFFFFD0] =	vst v0  }
0x61: {  	v0 =	vld [tilespmem:s16+$0x1180];
	_ =	sdelay $0x4  }
0x62: {  	[tilespmem:s11+$0xFFFFFFE0] =	vst v0  }
0x63: {  	v0 =	vld [tilespmem:s16+$0x1200];
	_ =	sdelay $0x4  }
0x64: {  	[tilespmem:s11+$0xFFFFFFF0] =	vst v0  }
0x65: {  	v0 =	vld [tilespmem:s16+$0x1280];
	_ =	sdelay $0x4  }
0x66: {  	[tilespmem:s11+$0x0] =	vst v0  }
0x67: {  	v0 =	vld [tilespmem:s16+$0x1300];
	_ =	sdelay $0x4  }
0x68: {  	[tilespmem:s11+$0x10] =	vst v0  }
0x69: {  	v0 =	vld [tilespmem:s16+$0x1380];
	_ =	sdelay $0x4  }
0x6a: {  	[tilespmem:s11+$0x20] =	vst v0  }
0x6b: {  	v0 =	vld [tilespmem:s16+$0x2000];
	_ =	sdelay $0x4  }
0x6c: {  	[tilespmem:s17+$0x4100] =	vst v0  }
0x6d: {  	v0 =	vld [tilespmem:s16+$0x2080];
	_ =	sdelay $0x4  }
0x6e: {  	[tilespmem:s11+$0x40] =	vst v0  }
0x6f: {  	v0 =	vld [tilespmem:s16+$0x2100];
	_ =	sdelay $0x4  }
0x70: {  	[tilespmem:s11+$0x50] =	vst v0  }
0x71: {  	v0 =	vld [tilespmem:s16+$0x2180];
	_ =	sdelay $0x4  }
0x72: {  	[tilespmem:s11+$0x60] =	vst v0  }
0x73: {  	v0 =	vld [tilespmem:s16+$0x2200];
	_ =	sdelay $0x4  }
0x74: {  	[tilespmem:s11+$0x70] =	vst v0  }
0x75: {  	v0 =	vld [tilespmem:s16+$0x2280];
	_ =	sdelay $0x4  }
0x76: {  	[tilespmem:s11+$0x80] =	vst v0  }
0x77: {  	v0 =	vld [tilespmem:s16+$0x2300];
	_ =	sdelay $0x4  }
0x78: {  	[tilespmem:s11+$0x90] =	vst v0  }
0x79: {  	v0 =	vld [tilespmem:s16+$0x2380];
	_ =	sdelay $0x4  }
0x7a: {  	[tilespmem:s11+$0xA0] =	vst v0  }
0x7b: {  	v0 =	vld [tilespmem:s16+$0x3000];
	_ =	sdelay $0x4  }
0x7c: {  	[tilespmem:s17+$0x4180] =	vst v0  }
.Ltmp0:
0x7d: {  	v0 =	vld [tilespmem:s16+$0x3080];
	(pc) =	sbr.rel @p0 .LBB2_2-.Ltmp0, $3  }
0x7e: {  	_ =	sdelay $0x1  }
0x7f: {  	s14 =	sadd.s32 $0x80, s14  }
0x80: {  	s15 =	sadd.s32 $0x10, s15;
	s17 =	sand.u32 $0xC00, s14;
	s16 =	sand.u32 $0x70, s12  }
0x81: {  	s15 =	sor.u32 s16, s17;
	[tilespmem:s11+$0xC0] =	vst v0  }
0x82: {  	v0 =	vld [tilespmem:s15+$0x0];
	_ =	sdelay $0x3  }
0x83: {  	s30 =	sadd.s32 $0x1A0, s11  }
0x84: {  	[tilespmem:s30+$0xFFFFFF30] =	vst v0  }
0x85: {  	v0 =	vld [tilespmem:s15+$0x80];
	_ =	sdelay $0x4  }
0x86: {  	[tilespmem:s30+$0xFFFFFF40] =	vst v0  }
0x87: {  	v0 =	vld [tilespmem:s15+$0x100];
	_ =	sdelay $0x4  }
0x88: {  	[tilespmem:s30+$0xFFFFFF50] =	vst v0  }
0x89: {  	v0 =	vld [tilespmem:s15+$0x180];
	_ =	sdelay $0x4  }
0x8a: {  	[tilespmem:s30+$0xFFFFFF60] =	vst v0  }
0x8b: {  	v0 =	vld [tilespmem:s15+$0x200];
	_ =	sdelay $0x4  }
0x8c: {  	[tilespmem:s30+$0xFFFFFF70] =	vst v0  }
0x8d: {  	v0 =	vld [tilespmem:s15+$0x280];
	_ =	sdelay $0x4  }
0x8e: {  	[tilespmem:s30+$0xFFFFFF80] =	vst v0  }
0x8f: {  	v0 =	vld [tilespmem:s15+$0x300];
	_ =	sdelay $0x3  }
0x90: {  	s12 =	sor.u32 s14, s12  }
0x91: {  	s12 =	sor.u32 $0x380, s12;
	[tilespmem:s30+$0xFFFFFF90] =	vst v0  }
0x92: {  	v0 =	vld [tilespmem:s12+$0x0];
	_ =	sdelay $0x4  }
0x93: {  	[tilespmem:s30+$0xFFFFFFA0] =	vst v0  }
0x94: {  	v0 =	vld [tilespmem:s15+$0x1000];
	_ =	sdelay $0x2  }
0x95: {  	s31 =	sadd.s32 $0x1A0, s13  }
0x96: {  	s12 =	sand.u32 $0x3FE0, s31  }
0x97: {  	[tilespmem:s12+$0x4080] =	vst v0  }
0x98: {  	v0 =	vld [tilespmem:s15+$0x1080];
	_ =	sdelay $0x4  }
0x99: {  	[tilespmem:s30+$0xFFFFFFC0] =	vst v0  }
0x9a: {  	v0 =	vld [tilespmem:s15+$0x1100];
	_ =	sdelay $0x4  }
0x9b: {  	[tilespmem:s30+$0xFFFFFFD0] =	vst v0  }
0x9c: {  	v0 =	vld [tilespmem:s15+$0x1180];
	_ =	sdelay $0x4  }
0x9d: {  	[tilespmem:s30+$0xFFFFFFE0] =	vst v0  }
0x9e: {  	v0 =	vld [tilespmem:s15+$0x1200];
	_ =	sdelay $0x4  }
0x9f: {  	[tilespmem:s30+$0xFFFFFFF0] =	vst v0  }
0xa0: {  	v0 =	vld [tilespmem:s15+$0x1280];
	_ =	sdelay $0x4  }
0xa1: {  	[tilespmem:s30+$0x0] =	vst v0  }
0xa2: {  	v0 =	vld [tilespmem:s15+$0x1300];
	_ =	sdelay $0x4  }
0xa3: {  	[tilespmem:s30+$0x10] =	vst v0  }
0xa4: {  	v0 =	vld [tilespmem:s15+$0x1380];
	_ =	sdelay $0x4  }
0xa5: {  	[tilespmem:s30+$0x20] =	vst v0  }
0xa6: {  	v0 =	vld [tilespmem:s15+$0x2000];
	_ =	sdelay $0x4  }
0xa7: {  	[tilespmem:s12+$0x4100] =	vst v0  }
0xa8: {  	v0 =	vld [tilespmem:s15+$0x2080];
	_ =	sdelay $0x4  }
0xa9: {  	[tilespmem:s30+$0x40] =	vst v0  }
0xaa: {  	v0 =	vld [tilespmem:s15+$0x2100];
	_ =	sdelay $0x4  }
0xab: {  	[tilespmem:s30+$0x50] =	vst v0  }
0xac: {  	v0 =	vld [tilespmem:s15+$0x2180];
	_ =	sdelay $0x4  }
0xad: {  	[tilespmem:s30+$0x60] =	vst v0  }
0xae: {  	v0 =	vld [tilespmem:s15+$0x2200];
	_ =	sdelay $0x4  }
0xaf: {  	[tilespmem:s30+$0x70] =	vst v0  }
0xb0: {  	v0 =	vld [tilespmem:s15+$0x2280];
	_ =	sdelay $0x4  }
0xb1: {  	[tilespmem:s30+$0x80] =	vst v0  }
0xb2: {  	v0 =	vld [tilespmem:s15+$0x2300];
	_ =	sdelay $0x4  }
0xb3: {  	[tilespmem:s30+$0x90] =	vst v0  }
0xb4: {  	v0 =	vld [tilespmem:s15+$0x2380];
	_ =	sdelay $0x4  }
0xb5: {  	[tilespmem:s30+$0xA0] =	vst v0  }
0xb6: {  	v0 =	vld [tilespmem:s15+$0x3000];
	_ =	sdelay $0x4  }
0xb7: {  	[tilespmem:s12+$0x4180] =	vst v0  }
0xb8: {  	v0 =	vld [tilespmem:s15+$0x3080];
	_ =	sdelay $0x2  }
0xb9: {  	s10 =	sadd.s32 $0x1, s10  }
0xba: {  	p0 =	sne.s32 s10, s5  }
.Ltmp1:
0xbb: {  	[tilespmem:s30+$0xC0] =	vst v0;
	(pc) =	sbr.rel @p0 .LBB2_1-.Ltmp1, $4  }
0xbc: {  	[hbm4b:s4+s2] =	stream.linear.scatter [tilespmem:s9], [sflag:$0x1], $0x3400, $0x38;
	[tilespmem:$0x7400] =	vst v63  }
0xbd: {  	_ =	swait.ge [sflag:s8], $0x3400  }
0xbe: {  	[sflag:s8] =	ssyncset.done $0x0  }
0xbf: {  	[sflag:s8] =	ssyncadd.s32 $0xFFFFCC00  }
0xc0: {  	_ =	sfence.sel $0x180000  }
0xc1: {  	[bflag:$0x0] =	sbarrier.arrive $0xFFFF  }
0xc2: {  	p0 =	sne.s32 s0, $0x0;
	_ =	strace $0x90000047  }
0xc3: {  	s0 =	sadd.s32 @!p0 $0x100000, s1;
	[bflag:$0x2] =	sbarrier.arrive $0xFFFF  }
0xc4: {  	[sflag:s0] =	ssyncadd.tile.s32 @!p0 $0x1;
	_ =	shalt  }
.Lfunc_end2:
_tile_overlayer_lowered:
.L_overlay_start_2:
0xc5: {  	(tag) =	ssettag $0x2  }
0xc6: {  	s0 =	rddreg [dreg:$0x0];
	s2 =	stileid.u32  }
0xc7: {  	s1 =	rddreg [dreg:$0x1];
	p0 =	sne.s32 s2, $0x0  }
0xc8: {  	s3 =	rddreg [dreg:$0x2];
	[bflag:$0x3] =	sbarrier.arrive $0xFFFF;
	s2 =	simm.s32 @!p0 $0x1C01  }
0xc9: {  	[timem:s3], [sflag:s2] =	dma.local @!p0 [hbm:s0], s1  }
0xca: {  	s0 =	simm.s32 @!p0 $0x1  }
0xcb: {  	_ =	swait.ge @!p0 [sflag:s0], s1  }
0xcc: {  	s1 =	ssub.s32 @!p0 $0x0, s1;
	[sflag:s0] =	ssyncset.done @!p0 $0x0  }
0xcd: {  	[sflag:s0] =	ssyncadd.s32 @!p0 s1  }
0xce: {  	[bflag:$0x3] =	sbarrier.arrive $0xFFFF  }
0xcf: {  	_ =	shalt  }

// kernel: kernel.7.cloned.1.call-start
scs
__scs_entry_jumppad:
0x0: {  	(pc) =	sbr.rel $0x88, $3  }
0x1: {  	(tag) =	ssettag $0x0;
	lr =	simm.s32 $0x1  }
0x2: {  	[smem:$0x3F9F] =	sst lr;
	_ =	strace $0xD0000000  }
0x3: {  	_ = 	snop  }
0x4: {  	_ = 	snop  }
0x5: {  	_ = 	snop  }
0x6: {  	_ = 	snop  }
0x7: {  	_ = 	snop  }
__scs_overlays_trampoline_lowered:
0x8: {  	[smem:$0x3FAE] =	sst s0  }
0x9: {  	[smem:$0x3FAF] =	sst s1  }
0xa: {  	[smem:$0x3FB0] =	sst s2  }
0xb: {  	[smem:$0x3FB1] =	sst s3  }
0xc: {  	[smem:$0x3FB2] =	sst s4  }
0xd: {  	[smem:$0x3FB3] =	sst s5  }
0xe: {  	[smem:$0x3FB4] =	sst s6  }
0xf: {  	[smem:$0x3FB5] =	sst s7  }
0x10: {  	[smem:$0x3FB6] =	sst s8  }
0x11: {  	[smem:$0x3FB7] =	sst s9;
	s0 =	simm.s32 @!p0 $0x0  }
0x12: {  	s1 =	sld [smem:$0x3F9D];
	s0 =	simm.s32 @p0 $0x1  }
0x13: {  	[smem:$0x3FB8] =	sst s0;
	s0 =	simm.s32 @!p1 $0x0  }
0x14: {  	s2 =	sld [smem:$0x3F9C];
	s0 =	simm.s32 @p1 $0x1  }
0x15: {  	[smem:$0x3FB9] =	sst s0;
	s0 =	simm.s32 @!p2 $0x0  }
0x16: {  	s3 =	sld [smem:$0x3FDB];
	s0 =	simm.s32 @p2 $0x1  }
0x17: {  	s4 =	simm.s32 $0x1BF5;
	[smem:$0x3FBB] =	sst s0  }
0x18: {  	s0 =	sld [smem:$0x3F9E];
	_ =	swait.ge [sflag:s4], $0x0  }
0x19: {  	s7 =	sld [smem:$0x3F9F]  }
0x1a: {  	s8 =	sadd.s32 $0xFFFFE003, lr  }
0x1b: {  	s9 =	sadd.s32 $0xFFFFFEF7, lr;
	s5 =	simm.s32 $0xFFFFFFFF;
	p2 =	slt.u32 s8, $0xFFFFF086  }
0x1c: {  	p1 =	slt.u32 s9, $0xF7A;
	s5 =	simm.s32 @!p2 $0x0  }
0x1d: {  	s5 =	simm.s32 @p1 $0x1;
	p0 =	seq.s32 s7, s2  }
0x1e: {  	s7 =	smul.u32 @!p0 $0xF7A, s2;
	p2 =	seq.s32 @!p0 s5, $0x0  }
0x1f: {  	s9 =	smul.u32 $0xF7A, s1;
	s8 =	simm.s32 @!p0 $0x1BF5;
	p2 =	por !p2, p0  }
0x20: {  	[sflag:s8] =	ssyncset.s32 @!p0 $0xFFFFF086;
	s6 =	sadd.s32 @!p0 s3, s7;
	s7 =	simm.s32 @!p0 $0x108  }
0x21: {  	s3 =	sadd.s32 s3, s9;
	s6 =	sadd.s32 @!p0 $0x88, s6;
	s7 =	simm.s32 @p2 $0x1082  }
0x22: {  	[simem:s7], [sflag:s8] =	dma.local @!p0 [hbm:s6], $0xF7A  }
0x23: {  	s9 =	sor.u32 $0xD0000000, s2;
	s6 =	simm.s32 $0x108;
	_ =	swait.ge @!p0 [sflag:s8], $0x0  }
0x24: {  	s3 =	sadd.s32 $0x88, s3;
	s6 =	simm.s32 @!p1 $0x1082;
	[sflag:s4] =	ssyncset.s32 $0xFFFFF086  }
0x25: {  	[simem:s6], [sflag:s4] =	dma.local [hbm:s3], $0xF7A  }
0x26: {  	[smem:$0x3F9F] =	sst s1;
	(tag) =	ssettag s2;
	_ =	strace s9  }
0x27: {  	s1 =	sld [smem:$0x3FAF]  }
0x28: {  	s2 =	sld [smem:$0x3FB0]  }
0x29: {  	s4 =	sld [smem:$0x3FB2]  }
0x2a: {  	p0 =	seq.s32 s5, $0x0;
	s5 =	sld [smem:$0x3FB3]  }
0x2b: {  	s6 =	sld [smem:$0x3FB4]  }
0x2c: {  	s7 =	sld [smem:$0x3FB5]  }
0x2d: {  	s3 =	simm.s32 $0x108;
	s8 =	sld [smem:$0x3FB6]  }
0x2e: {  	s3 =	simm.s32 @!p0 $0x1082;
	s9 =	sld [smem:$0x3FB7]  }
0x2f: {  	lr =	sadd.s32 s0, s3;
	s0 =	sld [smem:$0x3FAE]  }
0x30: {  	s3 =	sld [smem:$0x3FB1]  }
0x31: {  	[smem:$0x3FBA] =	sst s10  }
0x32: {  	s10 =	sld [smem:$0x3FB8];
	_ =	sdelay $0x3  }
0x33: {  	p0 =	seq.s32 s10, $0x1;
	s10 =	sld [smem:$0x3FBA];
	_ =	sdelay $0x3  }
0x34: {  	[smem:$0x3FBA] =	sst s10  }
0x35: {  	s10 =	sld [smem:$0x3FB9];
	_ =	sdelay $0x3  }
0x36: {  	p1 =	seq.s32 s10, $0x1;
	s10 =	sld [smem:$0x3FBA];
	_ =	sdelay $0x3  }
0x37: {  	[smem:$0x3FBA] =	sst s10  }
0x38: {  	s10 =	sld [smem:$0x3FBB]  }
0x39: {  	_ = 	snop;
	(pc) =	sbr.ind lr, $3  }
0x3a: {  	_ = 	snop  }
0x3b: {  	_ = 	snop  }
0x3c: {  	p2 =	seq.s32 s10, $0x1;
	s10 =	sld [smem:$0x3FBA]  }
0x3d: {  	_ =	shalt  }
0x3e: {  	_ =	shalt  }
0x3f: {  	_ =	shalt  }
0x40: {  	_ =	shalt  }
0x41: {  	_ =	shalt  }
0x42: {  	_ =	shalt  }
0x43: {  	_ =	shalt  }
0x44: {  	_ =	shalt  }
0x45: {  	_ =	shalt  }
0x46: {  	_ =	shalt  }
0x47: {  	_ =	shalt  }
0x48: {  	_ =	shalt  }
0x49: {  	_ =	shalt  }
0x4a: {  	_ =	shalt  }
0x4b: {  	_ =	shalt  }
0x4c: {  	_ =	shalt  }
0x4d: {  	_ =	shalt  }
0x4e: {  	_ =	shalt  }
0x4f: {  	_ =	shalt  }
0x50: {  	_ =	shalt  }
0x51: {  	_ =	shalt  }
0x52: {  	_ =	shalt  }
0x53: {  	_ =	shalt  }
0x54: {  	_ =	shalt  }
0x55: {  	_ =	shalt  }
0x56: {  	_ =	shalt  }
0x57: {  	_ =	shalt  }
0x58: {  	_ =	shalt  }
0x59: {  	_ =	shalt  }
0x5a: {  	_ =	shalt  }
0x5b: {  	_ =	shalt  }
0x5c: {  	_ =	shalt  }
0x5d: {  	_ =	shalt  }
0x5e: {  	_ =	shalt  }
0x5f: {  	_ =	shalt  }
0x60: {  	_ =	shalt  }
0x61: {  	_ =	shalt  }
0x62: {  	_ =	shalt  }
0x63: {  	_ =	shalt  }
0x64: {  	_ =	shalt  }
0x65: {  	_ =	shalt  }
0x66: {  	_ =	shalt  }
0x67: {  	_ =	shalt  }
0x68: {  	_ =	shalt  }
0x69: {  	_ =	shalt  }
0x6a: {  	_ =	shalt  }
0x6b: {  	_ =	shalt  }
0x6c: {  	_ =	shalt  }
0x6d: {  	_ =	shalt  }
0x6e: {  	_ =	shalt  }
0x6f: {  	_ =	shalt  }
0x70: {  	_ =	shalt  }
0x71: {  	_ =	shalt  }
0x72: {  	_ =	shalt  }
0x73: {  	_ =	shalt  }
0x74: {  	_ =	shalt  }
0x75: {  	_ =	shalt  }
0x76: {  	_ =	shalt  }
0x77: {  	_ =	shalt  }
0x78: {  	_ =	shalt  }
0x79: {  	_ =	shalt  }
0x7a: {  	_ =	shalt  }
0x7b: {  	_ =	shalt  }
0x7c: {  	_ =	shalt  }
0x7d: {  	_ =	shalt  }
0x7e: {  	_ =	shalt  }
0x7f: {  	_ =	shalt  }
0x80: {  	_ =	shalt  }
0x81: {  	_ =	shalt  }
0x82: {  	_ =	shalt  }
0x83: {  	_ =	shalt  }
0x84: {  	_ =	shalt  }
0x85: {  	_ =	shalt  }
0x86: {  	_ =	shalt  }
0x87: {  	_ =	shalt  }
.Lfunc_end0:
.L_simem_size_0:
called_computation.1_lowered:
.L_overlay_start_0:
0x88: {  	s2 =	sld [smem:$0x3FD9]  }
0x89: {  	s3 =	sld [smem:$0x3FFE];
	_ =	sdelay $0x1  }
0x8a: {  	s1 =	srdreg.scid  }
0x8b: {  	s0 =	sand.u32 $0x1, s1  }
0x8c: {  	s17 =	sshll.u32 s0, $0xA;
	s2 =	sadd.s32 s3, s2  }
0x8d: {  	s2 =	sadd.s32 s2, s17  }
0x8e: {  	[smem:$0x3FC6] =	sst s2  }
0x8f: {  	_ = 	snop  }
0x90: {  	s2 =	sld [smem:$0x3FD0];
	(tm) =	ssettm $0x1  }
0x91: {  	s18 =	sld [smem:$0x3FFB];
	_ =	sdelay $0x3  }
0x92: {  	_ =	strace s18  }
0x93: {  	s3 =	sld [smem:$0x3FFC];
	_ =	sdelay $0x3  }
0x94: {  	_ =	strace s3  }
0x95: {  	s3 =	sld [smem:$0x3FFD];
	_ =	sdelay $0x3  }
0x96: {  	_ =	strace s3  }
0x97: {  	_ =	strace $0x8FFFFFFF  }
0x98: {  	s19 =	sld [smem:$0x3FDB];
	_ =	sdelay $0x1  }
0x99: {  	s4 =	simm.s32 $_scs_section_size  }
0x9a: {  	s5 =	simm.s32 $_size__tile_overlayer_lowered;
	s6 =	simm.s32 $_tile_overlayer_lowered  }
0x9b: {  	s22 =	simm.s32 $0x1BFF;
	s21 =	sshll.u32 s6, $0x1;
	s3 =	sadd.s32 s4, s19  }
0x9c: {  	s7 =	simm.s32 $0x0;
	s20 =	sshll.u32 s5, $0x1;
	s5 =	sadd.s32 s21, s3  }
0x9d: {  	[timem:s7], [sflag:s22] =	dma.local [hbm:s5], s20  }
0x9e: {  	_ =	swait.ge [sflag:s22], s20  }
0x9f: {  	s4 =	ssub.s32 $0x0, s20;
	[sflag:s22] =	ssyncset.done $0x0  }
0xa0: {  	[sflag:s22] =	ssyncadd.s32 s4;
	_ =	sdelay $0x1  }
0xa1: {  	s23 =	simm.s32 $0x1B8B  }
0xa2: {  	_ =	swait.ge [sflag:s23], $0x1  }
0xa3: {  	[sflag:s23] =	ssyncset.done $0x0  }
0xa4: {  	s25 =	simm.s32 $0x1B8E;
	s24 =	sld [smem:$0x3FFE];
	[sflag:s23] =	ssyncadd.s32 $0xFFFFFFFF  }
0xa5: {  	s26 =	simm.s32 $execute0_lowered;
	[smem:$0x3FD2] =	sst s25  }
0xa6: {  	s5 =	sshll.u32 s26, $0x1;
	_ =	strace $0x80000049;
	[dreg:$0x1] =	wrdreg $0xFFFFFFFF  }
0xa7: {  	s28 =	simm.s32 $_size_execute0_lowered;
	s3 =	sadd.s32 s3, s5;
	[dreg:$0x0] =	wrdreg $0x0  }
0xa8: {  	s5 =	sshll.u32 s28, $0x1;
	[dreg:$0x2] =	wrdreg s3  }
0xa9: {  	[dreg:$0x3] =	wrdreg s5  }
0xaa: {  	[dreg:$0x4] =	wrdreg $0xC0  }
0xab: {  	_ =	task [dreg:s7], $0x5FFFF  }
0xac: {  	[dreg:$0x1] =	wrdreg $0xFFFFFFFF  }
0xad: {  	[dreg:$0x0] =	wrdreg $0x60  }
0xae: {  	[dreg:$0x2] =	wrdreg s24  }
0xaf: {  	[dreg:$0x3] =	wrdreg s2  }
0xb0: {  	[dreg:$0x4] =	wrdreg $0x9  }
0xb1: {  	_ =	task.clear_ibuf [dreg:s7], $0x5FFFF;
	_ =	strace $0x90000049  }
0xb2: {  	s29 =	simm.s32 $0x9;
	_ =	strace $0x8000004B  }
0xb3: {  	_ =	swait.ge [sflag:s29], $0x1  }
0xb4: {  	[sflag:s29] =	ssyncadd.s32 $0xFFFFFFFF  }
0xb5: {  	_ =	strace $0x9000004B  }
0xb6: {  	_ =	sfence  }
0xb7: {  	s30 =	sld [smem:$0x0];
	_ =	sdelay $0x2  }
0xb8: {  	s31 =	sshll.u32 s1, $0xD;
	s1 =	sshrl.u32 s1, $0x2  }
0xb9: {  	s3 =	sand.u32 $0x4000, s31;
	s1 =	sadd.s32 s1, s30  }
0xba: {  	s0 =	sor.u32 s3, s0;
	s1 =	sshll.u32 s1, $0x11  }
0xbb: {  	s0 =	sor.u32 s1, s0  }
0xbc: {  	s0 =	sadd.s32 $0x8F2B, s0  }
0xbd: {  	[sflag:s0] =	ssyncadd.remote.s32 $0x1  }
0xbe: {  	_ =	sfence.sel $0xFFFF  }
0xbf: {  	[dreg:$0x0] =	wrdreg $0xFFFFFFFF;
	(pc) =	sbr.abs _section_cstart, $3  }
0xc0: {  	[dreg:$0x1] =	wrdreg $0xFFFFFFFF  }
0xc1: {  	_ =	task.clear_ibuf [dreg:s7], $0x2FFFF;
	_ =	strace $0x9FFFFFFF  }
0xc2: {  	(tm) =	ssettm $0x7FFFFFFF  }
0xc3: {  	_ =	shalt  }
tec
execute0_lowered:
.L_overlay_start_1:
0x0: {  	(tag) =	ssettag $0x1  }
0x1: {  	s3 =	rddreg [dreg:$0x0];
	s1 =	srdreg.scid  }
0x2: {  	s0 =	stileid.u32;
	s5 =	rddreg [dreg:$0x1]  }
0x3: {  	s2 =	simm.s32 $0x0;
	s9 =	simm.s32 $0x6800;
	s10 =	simm.s32 $0x0  }
0x4: {  	s4 =	sand.u32 $0x1, s1;
	s6 =	sshll.u32 s0, $0x1;
	s1 =	rddreg [dreg:$0x2]  }
0x5: {  	[smem:$0x7FF] =	sst s2;
	s6 =	sor.u32 s4, s6;
	s4 =	ssub.s32 $0x2, s4  }
0x6: {  	s7 =	smul.u32 $0x680, s6;
	s8 =	sshrl.u32 s4, $0x1;
	s6 =	sshll.u32 s6, $0x6  }
0x7: {  	_ =	strace $0x8000004A;
	s8 =	ssub.s32 s4, s8;
	s5 =	sadd.s32 s5, s6  }
0x8: {  	s7 =	sadd.s32 s7, s3;
	s3 =	sadd.s32 $0xD600, s3;
	s6 =	smax.u32 s8, $0x1  }
0x9: {  	s8 =	simm.s32 $0x80;
	s4 =	sadd.s32 $0x600, s7;
	s7 =	simm.s32 $0x9  }
.LBB2_1:
0xa: {  	s11 =	simm.s32 $0xFFFFFFFC  }
0xb: {  	s16 =	smul.u32 $0x4F, s11  }
0xc: {  	[tilespmem:s2], [sflag:$0x9] =	stream.linear.gather [hbm4b:s4+s2], $0x3400, $0x38;
	[tilespmem:$0x6A00] =	vst v63  }
0xd: {  	s11 =	sadd.s32 $0x13C, s16  }
0xe: {  	_ =	swait.ge [sflag:s7], $0x3400;
	s11 =	sshrl.u32 s11, $0xA  }
0xf: {  	s13 =	simm.s32 $0x0;
	[sflag:s7] =	ssyncset.done $0x0;
	s11 =	sand.u32 $0x3F, s11  }
0x10: {  	s12 =	simm.s32 $0x3400;
	[sflag:s7] =	ssyncadd.s32 $0xFFFFCC00;
	s11 =	sadd.s32 $0x1, s11  }
0x11: {  	[tilespmem:s12], [sflag:s11] =	stream.indirect.gather [hbm4b:s3+s8], $0x1, s13, s8, $0xb8;
	[tilespmem:$0x6A00] =	vst v63  }
0x12: {  	s14 =	simm.s32 $0x0;
	s15 =	simm.s32 $0x800;
	s11 =	simm.s32 $0x34D0  }
.LBB2_2:
0x13: {  	s12 =	smul.u32 $0x4F, s14  }
0x14: {  	s17 =	sshra.s32 s15, $0x2;
	s18 =	sadd.s32 $0x3500, s13;
	s19 =	sadd.s32 $0x100, s13  }
0x15: {  	s20 =	sadd.s32 $0x3580, s13;
	s21 =	sadd.s32 $0x18B, s16;
	s22 =	sadd.s32 $0x3480, s13  }
0x16: {  	s23 =	sadd.s32 $0x80, s13;
	s24 =	sadd.s32 $0x1DA, s16;
	s16 =	sadd.s32 $0x229, s16  }
0x17: {  	s13 =	sadd.s32 $0x180, s13;
	s14 =	sadd.s32 $0x4, s14;
	s21 =	sshrl.u32 s21, $0xA  }
0x18: {  	s24 =	sshrl.u32 s24, $0xA;
	s25 =	sadd.s32 $0x13C, s12;
	s21 =	sand.u32 $0x3F, s21  }
0x19: {  	s16 =	sshrl.u32 s16, $0xA;
	s24 =	sand.u32 $0x3F, s24;
	s21 =	sadd.s32 $0x1, s21  }
0x1a: {  	[tilespmem:s22], [sflag:s21] =	stream.indirect.gather [hbm4b:s3+s8], $0x1, s23, s8, $0xb8;
	[tilespmem:$0x6A00] =	vst v63  }
0x1b: {  	s16 =	sand.u32 $0x3F, s16;
	s21 =	sshrl.u32 s25, $0xA;
	s22 =	sadd.s32 $0x1, s24  }
0x1c: {  	[tilespmem:s18], [sflag:s22] =	stream.indirect.gather [hbm4b:s3+s8], $0x1, s19, s8, $0xb8;
	[tilespmem:$0x6A00] =	vst v63  }
0x1d: {  	p0 =	slt.u32 s14, $0x64;
	s16 =	sadd.s32 $0x1, s16;
	s18 =	sand.u32 $0x3F, s21  }
0x1e: {  	[tilespmem:s20], [sflag:s16] =	stream.indirect.gather [hbm4b:s3+s8], $0x1, s13, s8, $0xb8;
	[tilespmem:$0x6A00] =	vst v63  }
.Ltmp0:
0x1f: {  	_ = 	snop;
	(pc) =	sbr.rel @p0 .LBB2_2-.Ltmp0, $4  }
0x20: {  	s18 =	sadd.s32 $0x1, s18;
	s13 =	sadd.s32 $0x3400, s17;
	s16 =	smov.u32 s12  }
0x21: {  	[tilespmem:s13], [sflag:s18] =	stream.indirect.gather [hbm4b:s3+s8], $0x1, s17, s8, $0xb8;
	[tilespmem:$0x6A00] =	vst v63  }
0x22: {  	s13 =	smov.u32 s17  }
0x23: {  	s15 =	sadd.s32 $0x800, s15;
	s12 =	simm.s32 $0x0  }
0x24: {  	s14 =	sadd.s32 $0x3500, s13;
	s15 =	sadd.s32 $0x18B, s16  }
0x25: {  	s17 =	sadd.s32 $0x3480, s13;
	s18 =	sadd.s32 $0x80, s13;
	s19 =	sadd.s32 $0x1DA, s16  }
0x26: {  	s25 =	sadd.s32 $0x229, s16;
	s26 =	sadd.s32 $0x100, s13;
	s15 =	sshrl.u32 s15, $0xA  }
0x27: {  	s29 =	sadd.s32 $0x3580, s13;
	s19 =	sshrl.u32 s19, $0xA;
	s15 =	sand.u32 $0x3F, s15  }
0x28: {  	s16 =	sshrl.u32 s25, $0xA;
	s19 =	sand.u32 $0x3F, s19;
	s15 =	sadd.s32 $0x1, s15  }
0x29: {  	[tilespmem:s17], [sflag:s15] =	stream.indirect.gather [hbm4b:s3+s8], $0x1, s18, s8, $0xb8;
	[tilespmem:$0x6A00] =	vst v63  }
0x2a: {  	s30 =	sadd.s32 $0x180, s13;
	s16 =	sand.u32 $0x3F, s16;
	s28 =	sadd.s32 $0x1, s19  }
0x2b: {  	[tilespmem:s14], [sflag:s28] =	stream.indirect.gather [hbm4b:s3+s8], $0x1, s26, s8, $0xb8;
	[tilespmem:$0x6A00] =	vst v63  }
0x2c: {  	s13 =	simm.s32 $0x6800;
	s31 =	sadd.s32 $0x1, s16;
	s14 =	simm.s32 $0x0  }
0x2d: {  	[tilespmem:s29], [sflag:s31] =	stream.indirect.gather [hbm4b:s3+s8], $0x1, s30, s8, $0xb8;
	[tilespmem:$0x6A00] =	vst v63  }
.LBB2_4:
0x2e: {  	s14 =	sadd.s32 $0x1, s14  }
0x2f: {  	_ =	swait.ge [sflag:s14], $0x80  }
0x30: {  	[sflag:s14] =	ssyncset.done $0x0  }
0x31: {  	[sflag:s14] =	ssyncadd.s32 $0xFFFFFF80  }
0x32: {  	_ =	swait.ge [sflag:s14], $0x80  }
0x33: {  	[sflag:s14] =	ssyncset.done $0x0  }
0x34: {  	[sflag:s14] =	ssyncadd.s32 $0xFFFFFF80  }
0x35: {  	_ =	swait.ge [sflag:s14], $0x80  }
0x36: {  	[sflag:s14] =	ssyncset.done $0x0  }
0x37: {  	[sflag:s14] =	ssyncadd.s32 $0xFFFFFF80  }
0x38: {  	_ =	swait.ge [sflag:s14], $0x80  }
0x39: {  	[sflag:s14] =	ssyncset.done $0x0  }
0x3a: {  	[sflag:s14] =	ssyncadd.s32 $0xFFFFFF80  }
0x3b: {  	_ =	swait.ge [sflag:s14], $0x80  }
0x3c: {  	[sflag:s14] =	ssyncset.done $0x0  }
0x3d: {  	[sflag:s14] =	ssyncadd.s32 $0xFFFFFF80  }
0x3e: {  	_ =	swait.ge [sflag:s14], $0x80  }
0x3f: {  	[sflag:s14] =	ssyncset.done $0x0  }
0x40: {  	[sflag:s14] =	ssyncadd.s32 $0xFFFFFF80  }
0x41: {  	_ =	swait.ge [sflag:s14], $0x80  }
0x42: {  	[sflag:s14] =	ssyncset.done $0x0  }
0x43: {  	[sflag:s14] =	ssyncadd.s32 $0xFFFFFF80  }
0x44: {  	_ =	swait.ge [sflag:s14], $0x80  }
0x45: {  	[sflag:s14] =	ssyncset.done $0x0  }
0x46: {  	[sflag:s14] =	ssyncadd.s32 $0xFFFFFF80  }
0x47: {  	_ =	swait.ge [sflag:s14], $0x80  }
0x48: {  	[sflag:s14] =	ssyncset.done $0x0  }
0x49: {  	[sflag:s14] =	ssyncadd.s32 $0xFFFFFF80  }
0x4a: {  	_ =	swait.ge [sflag:s14], $0x80  }
0x4b: {  	[sflag:s14] =	ssyncset.done $0x0  }
0x4c: {  	[sflag:s14] =	ssyncadd.s32 $0xFFFFFF80  }
0x4d: {  	_ =	swait.ge [sflag:s14], $0x80  }
0x4e: {  	[sflag:s14] =	ssyncset.done $0x0  }
0x4f: {  	[sflag:s14] =	ssyncadd.s32 $0xFFFFFF80  }
0x50: {  	_ =	swait.ge [sflag:s14], $0x80  }
0x51: {  	[sflag:s14] =	ssyncset.done $0x0  }
0x52: {  	[sflag:s14] =	ssyncadd.s32 $0xFFFFFF80  }
0x53: {  	_ =	swait.ge [sflag:s14], $0x80  }
0x54: {  	[sflag:s14] =	ssyncset.done $0x0  }
0x55: {  	[sflag:s14] =	ssyncadd.s32 $0xFFFFFF80  }
0x56: {  	v0 =	vld [tilespmem:s11+$0xFFFFFF30];
	_ =	sdelay $0x1  }
0x57: {  	v1 =	vld [tilespmem:s11+$0xFFFFFF40];
	_ =	sdelay $0x1  }
0x58: {  	v2 =	vld [tilespmem:s11+$0xFFFFFF50]  }
0x59: {  	v0 =	vadd.f32 $0.0e+00, v0  }
0x5a: {  	v3 =	vld [tilespmem:s11+$0xFFFFFF60]  }
0x5b: {  	v0 =	vadd.f32 v1, v0  }
0x5c: {  	v1 =	vld [tilespmem:s11+$0xFFFFFF70]  }
0x5d: {  	v0 =	vadd.f32 v2, v0  }
0x5e: {  	v2 =	vld [tilespmem:s11+$0xFFFFFF80]  }
0x5f: {  	v0 =	vadd.f32 v3, v0  }
0x60: {  	v3 =	vld [tilespmem:s11+$0xFFFFFF90]  }
0x61: {  	v0 =	vadd.f32 v1, v0  }
0x62: {  	s15 =	sand.u32 $0x3FFFFF80, s12;
	v1 =	vld [tilespmem:s11+$0xFFFFFFA0]  }
0x63: {  	s15 =	sadd.s32 $0x0, s15;
	v0 =	vadd.f32 v2, v0  }
0x64: {  	v2 =	vld [tilespmem:s15+$0x3480]  }
0x65: {  	v0 =	vadd.f32 v3, v0  }
0x66: {  	v3 =	vld [tilespmem:s11+$0xFFFFFFC0]  }
0x67: {  	v0 =	vadd.f32 v1, v0  }
0x68: {  	v1 =	vld [tilespmem:s11+$0xFFFFFFD0]  }
0x69: {  	v0 =	vadd.f32 v2, v0  }
0x6a: {  	v2 =	vld [tilespmem:s11+$0xFFFFFFE0]  }
0x6b: {  	v0 =	vadd.f32 v3, v0  }
0x6c: {  	v3 =	vld [tilespmem:s11+$0xFFFFFFF0]  }
0x6d: {  	v0 =	vadd.f32 v1, v0  }
0x6e: {  	v1 =	vld [tilespmem:s11+$0x0]  }
0x6f: {  	v0 =	vadd.f32 v2, v0  }
0x70: {  	v2 =	vld [tilespmem:s11+$0x10]  }
0x71: {  	v0 =	vadd.f32 v3, v0  }
0x72: {  	v3 =	vld [tilespmem:s11+$0x20]  }
0x73: {  	v0 =	vadd.f32 v1, v0  }
0x74: {  	v1 =	vld [tilespmem:s15+$0x3500]  }
0x75: {  	v0 =	vadd.f32 v2, v0  }
0x76: {  	v2 =	vld [tilespmem:s11+$0x40]  }
0x77: {  	v0 =	vadd.f32 v3, v0  }
0x78: {  	v3 =	vld [tilespmem:s11+$0x50]  }
0x79: {  	v0 =	vadd.f32 v1, v0  }
0x7a: {  	v1 =	vld [tilespmem:s11+$0x60]  }
0x7b: {  	v0 =	vadd.f32 v2, v0  }
0x7c: {  	v2 =	vld [tilespmem:s11+$0x70]  }
0x7d: {  	v0 =	vadd.f32 v3, v0  }
0x7e: {  	v3 =	vld [tilespmem:s11+$0x80]  }
0x7f: {  	v0 =	vadd.f32 v1, v0  }
0x80: {  	v1 =	vld [tilespmem:s11+$0x90]  }
0x81: {  	v0 =	vadd.f32 v2, v0  }
0x82: {  	v2 =	vld [tilespmem:s11+$0xA0]  }
0x83: {  	v0 =	vadd.f32 v3, v0  }
0x84: {  	v3 =	vld [tilespmem:s15+$0x3580]  }
0x85: {  	v0 =	vadd.f32 v1, v0  }
0x86: {  	v1 =	vld [tilespmem:s11+$0xC0]  }
0x87: {  	v0 =	vadd.f32 v2, v0;
	_ =	sdelay $0x1  }
0x88: {  	v0 =	vadd.f32 v3, v0;
	_ =	sdelay $0x1  }
0x89: {  	v0 =	vadd.f32 v1, v0;
	_ =	sdelay $0x1  }
0x8a: {  	s17 =	simm.s32 $0x80;
	s15 =	sadd.s32 $0x1A0, s11;
	[tilespmem:s13+$0x0] =	vst v0  }
0x8b: {  	s19 =	simm.s32 $0x100;
	s18 =	smov.u32 s12;
	s16 =	smov.u32 s13;
	v0 =	vld [tilespmem:s15+$0xFFFFFF30]  }
.LBB2_5:
0x8c: {  	p0 =	sne.s32 s19, $0x180  }
0x8d: {  	v1 =	vld [tilespmem:s15+$0xFFFFFF40];
	_ =	sdelay $0x1  }
0x8e: {  	v2 =	vld [tilespmem:s15+$0xFFFFFF50]  }
0x8f: {  	v0 =	vadd.f32 $0.0e+00, v0  }
0x90: {  	v3 =	vld [tilespmem:s15+$0xFFFFFF60]  }
0x91: {  	v0 =	vadd.f32 v1, v0  }
0x92: {  	v1 =	vld [tilespmem:s15+$0xFFFFFF70]  }
0x93: {  	v0 =	vadd.f32 v2, v0  }
0x94: {  	v2 =	vld [tilespmem:s15+$0xFFFFFF80]  }
0x95: {  	v0 =	vadd.f32 v3, v0  }
0x96: {  	v3 =	vld [tilespmem:s15+$0xFFFFFF90]  }
0x97: {  	s18 =	sadd.s32 $0x1A0, s18;
	v0 =	vadd.f32 v1, v0  }
0x98: {  	s21 =	sshra.s32 s17, $0x2;
	s17 =	smov.u32 s19;
	s20 =	sand.u32 $0x3FFFFF80, s18;
	v1 =	vld [tilespmem:s15+$0xFFFFFFA0]  }
0x99: {  	s20 =	sadd.s32 s21, s20;
	v0 =	vadd.f32 v2, v0  }
0x9a: {  	v2 =	vld [tilespmem:s20+$0x3480]  }
0x9b: {  	v0 =	vadd.f32 v3, v0  }
0x9c: {  	v3 =	vld [tilespmem:s15+$0xFFFFFFC0]  }
0x9d: {  	v0 =	vadd.f32 v1, v0  }
0x9e: {  	v1 =	vld [tilespmem:s15+$0xFFFFFFD0]  }
0x9f: {  	v0 =	vadd.f32 v2, v0  }
0xa0: {  	v2 =	vld [tilespmem:s15+$0xFFFFFFE0]  }
0xa1: {  	v0 =	vadd.f32 v3, v0  }
0xa2: {  	v3 =	vld [tilespmem:s15+$0xFFFFFFF0]  }
0xa3: {  	v0 =	vadd.f32 v1, v0  }
0xa4: {  	v1 =	vld [tilespmem:s15+$0x0]  }
0xa5: {  	v0 =	vadd.f32 v2, v0  }
0xa6: {  	v2 =	vld [tilespmem:s15+$0x10]  }
0xa7: {  	v0 =	vadd.f32 v3, v0  }
0xa8: {  	v3 =	vld [tilespmem:s15+$0x20]  }
0xa9: {  	v0 =	vadd.f32 v1, v0  }
0xaa: {  	v1 =	vld [tilespmem:s20+$0x3500]  }
0xab: {  	v0 =	vadd.f32 v2, v0  }
0xac: {  	v2 =	vld [tilespmem:s15+$0x40]  }
0xad: {  	v0 =	vadd.f32 v3, v0  }
0xae: {  	v3 =	vld [tilespmem:s15+$0x50]  }
0xaf: {  	v0 =	vadd.f32 v1, v0  }
0xb0: {  	v1 =	vld [tilespmem:s15+$0x60]  }
0xb1: {  	v0 =	vadd.f32 v2, v0  }
0xb2: {  	v2 =	vld [tilespmem:s15+$0x70]  }
0xb3: {  	v0 =	vadd.f32 v3, v0  }
0xb4: {  	v3 =	vld [tilespmem:s15+$0x80]  }
0xb5: {  	v0 =	vadd.f32 v1, v0  }
0xb6: {  	v1 =	vld [tilespmem:s15+$0x90]  }
0xb7: {  	v0 =	vadd.f32 v2, v0  }
0xb8: {  	v2 =	vld [tilespmem:s15+$0xA0]  }
0xb9: {  	v0 =	vadd.f32 v3, v0  }
0xba: {  	v3 =	vld [tilespmem:s20+$0x3580]  }
0xbb: {  	v0 =	vadd.f32 v1, v0  }
0xbc: {  	v1 =	vld [tilespmem:s15+$0xC0]  }
0xbd: {  	v0 =	vadd.f32 v2, v0;
	_ =	sdelay $0x1  }
0xbe: {  	v0 =	vadd.f32 v3, v0  }
.Ltmp1:
0xbf: {  	(pc) =	sbr.rel @p0 .LBB2_5-.Ltmp1, $4  }
0xc0: {  	v0 =	vadd.f32 v1, v0  }
0xc1: {  	s16 =	sadd.s32 $0x10, s16  }
0xc2: {  	s15 =	sadd.s32 $0x1A0, s15;
	[tilespmem:s16+$0x0] =	vst v0  }
0xc3: {  	s19 =	sadd.s32 $0x80, s19;
	v0 =	vld [tilespmem:s15+$0xFFFFFF30]  }
0xc4: {  	_ = 	snop  }
0xc5: {  	v1 =	vld [tilespmem:s15+$0xFFFFFF40];
	_ =	sdelay $0x1  }
0xc6: {  	v2 =	vld [tilespmem:s15+$0xFFFFFF50]  }
0xc7: {  	v0 =	vadd.f32 $0.0e+00, v0  }
0xc8: {  	v3 =	vld [tilespmem:s15+$0xFFFFFF60]  }
0xc9: {  	v0 =	vadd.f32 v1, v0  }
0xca: {  	v42 =	vld [tilespmem:s15+$0xFFFFFF70]  }
0xcb: {  	v0 =	vadd.f32 v2, v0  }
0xcc: {  	v43 =	vld [tilespmem:s15+$0xFFFFFF80]  }
0xcd: {  	v0 =	vadd.f32 v3, v0  }
0xce: {  	v44 =	vld [tilespmem:s15+$0xFFFFFF90]  }
0xcf: {  	s18 =	sadd.s32 $0x1A0, s18;
	v0 =	vadd.f32 v42, v0  }
0xd0: {  	s17 =	sshra.s32 s17, $0x2;
	v45 =	vld [tilespmem:s15+$0xFFFFFFA0];
	s18 =	sand.u32 $0x3FFFFF80, s18  }
0xd1: {  	s17 =	sadd.s32 s17, s18;
	v0 =	vadd.f32 v43, v0  }
0xd2: {  	v46 =	vld [tilespmem:s17+$0x3480]  }
0xd3: {  	v0 =	vadd.f32 v44, v0  }
0xd4: {  	v47 =	vld [tilespmem:s15+$0xFFFFFFC0]  }
0xd5: {  	v0 =	vadd.f32 v45, v0  }
0xd6: {  	v48 =	vld [tilespmem:s15+$0xFFFFFFD0]  }
0xd7: {  	v0 =	vadd.f32 v46, v0  }
0xd8: {  	v49 =	vld [tilespmem:s15+$0xFFFFFFE0]  }
0xd9: {  	v0 =	vadd.f32 v47, v0  }
0xda: {  	v50 =	vld [tilespmem:s15+$0xFFFFFFF0]  }
0xdb: {  	v0 =	vadd.f32 v48, v0  }
0xdc: {  	v51 =	vld [tilespmem:s15+$0x0]  }
0xdd: {  	v0 =	vadd.f32 v49, v0  }
0xde: {  	v52 =	vld [tilespmem:s15+$0x10]  }
0xdf: {  	v0 =	vadd.f32 v50, v0  }
0xe0: {  	v53 =	vld [tilespmem:s15+$0x20]  }
0xe1: {  	v0 =	vadd.f32 v51, v0  }
0xe2: {  	v54 =	vld [tilespmem:s17+$0x3500]  }
0xe3: {  	v0 =	vadd.f32 v52, v0  }
0xe4: {  	v55 =	vld [tilespmem:s15+$0x40]  }
0xe5: {  	v0 =	vadd.f32 v53, v0  }
0xe6: {  	v56 =	vld [tilespmem:s15+$0x50]  }
0xe7: {  	v0 =	vadd.f32 v54, v0  }
0xe8: {  	v57 =	vld [tilespmem:s15+$0x60]  }
0xe9: {  	v0 =	vadd.f32 v55, v0  }
0xea: {  	v58 =	vld [tilespmem:s15+$0x70]  }
0xeb: {  	v0 =	vadd.f32 v56, v0  }
0xec: {  	v59 =	vld [tilespmem:s15+$0x80]  }
0xed: {  	v0 =	vadd.f32 v57, v0  }
0xee: {  	v60 =	vld [tilespmem:s15+$0x90]  }
0xef: {  	v0 =	vadd.f32 v58, v0  }
0xf0: {  	v61 =	vld [tilespmem:s15+$0xA0]  }
0xf1: {  	v0 =	vadd.f32 v59, v0  }
0xf2: {  	v62 =	vld [tilespmem:s17+$0x3580]  }
0xf3: {  	v0 =	vadd.f32 v60, v0  }
0xf4: {  	v63 =	vld [tilespmem:s15+$0xC0]  }
0xf5: {  	v0 =	vadd.f32 v61, v0  }
0xf6: {  	p0 =	sne.s32 s14, $0x8  }
.Ltmp2:
0xf7: {  	v0 =	vadd.f32 v62, v0;
	(pc) =	sbr.rel @p0 .LBB2_4-.Ltmp2, $4  }
0xf8: {  	_ = 	snop  }
0xf9: {  	v0 =	vadd.f32 v63, v0  }
0xfa: {  	s31 =	sadd.s32 $0x10, s16  }
0xfb: {  	s13 =	sadd.s32 $0x40, s13;
	s12 =	sadd.s32 $0x680, s12;
	s11 =	sadd.s32 $0x680, s11;
	[tilespmem:s31+$0x0] =	vst v0  }
0xfc: {  	s10 =	sadd.s32 $0x1, s10  }
0xfd: {  	p0 =	sne.s32 s10, s6  }
.Ltmp3:
0xfe: {  	_ = 	snop;
	(pc) =	sbr.rel @p0 .LBB2_1-.Ltmp3, $4  }
0xff: {  	[hbm4b:s5+s2] =	stream.linear.scatter [tilespmem:s9], [sflag:$0x9], $0x200, $0x38;
	[tilespmem:$0x6A00] =	vst v63  }
0x100: {  	_ =	swait.ge [sflag:s7], $0x200  }
0x101: {  	[sflag:s7] =	ssyncset.done $0x0  }
0x102: {  	[sflag:s7] =	ssyncadd.s32 $0xFFFFFE00  }
0x103: {  	_ =	sfence.sel $0x180000  }
0x104: {  	[bflag:$0x0] =	sbarrier.arrive $0xFFFF  }
0x105: {  	p0 =	sne.s32 s0, $0x0;
	_ =	strace $0x9000004A  }
0x106: {  	s0 =	sadd.s32 @!p0 $0x100000, s1;
	[bflag:$0x2] =	sbarrier.arrive $0xFFFF  }
0x107: {  	[sflag:s0] =	ssyncadd.tile.s32 @!p0 $0x1;
	_ =	shalt  }
.Lfunc_end2:
_tile_overlayer_lowered:
.L_overlay_start_2:
0x108: {  	(tag) =	ssettag $0x2  }
0x109: {  	s0 =	rddreg [dreg:$0x0];
	s2 =	stileid.u32  }
0x10a: {  	s1 =	rddreg [dreg:$0x1];
	p0 =	sne.s32 s2, $0x0  }
0x10b: {  	s3 =	rddreg [dreg:$0x2];
	[bflag:$0x3] =	sbarrier.arrive $0xFFFF;
	s2 =	simm.s32 @!p0 $0x1C09  }
0x10c: {  	[timem:s3], [sflag:s2] =	dma.local @!p0 [hbm:s0], s1  }
0x10d: {  	s0 =	simm.s32 @!p0 $0x9  }
0x10e: {  	_ =	swait.ge @!p0 [sflag:s0], s1  }
0x10f: {  	s1 =	ssub.s32 @!p0 $0x0, s1;
	[sflag:s0] =	ssyncset.done @!p0 $0x0  }
0x110: {  	[sflag:s0] =	ssyncadd.s32 @!p0 s1  }
0x111: {  	[bflag:$0x3] =	sbarrier.arrive $0xFFFF  }
0x112: {  	_ =	shalt  }

</sc_bundles>
